<compile_context>
chip_gen: v7x
topology: tpu7x:2x2x1
jax: 0.10.2.dev20260603
libtpu: 0.0.44.dev20260713+nightly
codegen_flags: <defaults>
</compile_context>

<pallas_src>
import functools

import numpy as np

import jax
import jax.numpy as jnp
from jax import lax
from jax.experimental import pallas as pl
from jax.experimental.pallas import tpu as pltpu
from jax.experimental.pallas import tpu_sc as plsc

N = 10000
E = 320000
D = 128
NRBF = 16

NC = 2
NS = 16
NW = NC * NS
SB = 128
TS = E // SB
NSTR = TS // NW
EXTRA = TS - NSTR * NW
ZR = 624
ZR_TAIL = N - ZR * NS

_LOG2 = 0.6931471805599453


def _ssp(t):
    return jnp.maximum(t, 0.0) + jnp.log1p(jnp.exp(-jnp.abs(t))) - _LOG2


_BE = 16000


def _filter_body(e_ref, w1_ref, b1_ref, w2_ref, b2_ref, o_ref):
    t = jnp.dot(e_ref[...], w1_ref[...], preferred_element_type=jnp.float32)
    h = _ssp(t + b1_ref[...])
    res = (
        jnp.dot(h, w2_ref[...], preferred_element_type=jnp.float32)
        + b2_ref[...]
    ).astype(jnp.bfloat16)
    lo = jax.lax.bitcast_convert_type(res[:, : D // 2], jnp.uint16)
    hi = jax.lax.bitcast_convert_type(res[:, D // 2:], jnp.uint16)
    o_ref[...] = jax.lax.bitcast_convert_type(
        lo.astype(jnp.uint32) | (hi.astype(jnp.uint32) << 16), jnp.int32)


def _filter_mlp(e_ij, fW1, fb1, fW2, fb2):
    grid = E // _BE
    return pl.pallas_call(
        _filter_body,
        grid=(grid,),
        in_specs=[
            pl.BlockSpec((_BE, NRBF), lambda i: (i, 0)),
            pl.BlockSpec((NRBF, D), lambda i: (0, 0)),
            pl.BlockSpec((1, D), lambda i: (0, 0)),
            pl.BlockSpec((D, D), lambda i: (0, 0)),
            pl.BlockSpec((1, D), lambda i: (0, 0)),
        ],
        out_specs=pl.BlockSpec((_BE, D // 2), lambda i: (i, 0)),
        out_shape=jax.ShapeDtypeStruct((E, D // 2), jnp.int32),
    )(e_ij, fW1, fb1.reshape(1, D), fW2, fb2.reshape(1, D))


def _sc_body(w_hbm, x_hbm, ei_hbm, out_hbm,
             src0, src1, dst0, dst1, xg0, xg1, wv, acc_sh,
             sg0, sg1, sw0, ss0, ss1, sdt0, sdt1, ssr0, ssr1):
    c = lax.axis_index("c")
    s = lax.axis_index("s")
    wid = s * NC + c
    xg = (xg0, xg1)
    srcb = (src0, src1)
    dstb = (dst0, dst1)
    sg = (sg0, sg1)
    ss = (ss0, ss1)
    sdt = (sdt0, sdt1)
    ssr = (ssr0, ssr1)
    sbase = wid * NSTR

    def zrow(r, _):
        for j in range(D // 16):
            xg0[r, pl.ds(16 * j, 16)] = jnp.zeros((16,), jnp.float32)
        return 0

    lax.fori_loop(0, SB, zrow, 0)
    r0 = s * ZR
    for k in range(ZR // SB):
        pltpu.sync_copy(xg0, acc_sh.at[pl.ds(r0 + SB * k, SB)])
    rem = ZR % SB
    if rem:
        pltpu.sync_copy(xg0.at[pl.ds(0, rem)],
                        acc_sh.at[pl.ds(r0 + (ZR // SB) * SB, rem)])

    @pl.when(s == 0)
    def _zero_tail():
        pltpu.sync_copy(xg0.at[pl.ds(0, ZR_TAIL)],
                        acc_sh.at[pl.ds(ZR * NS, ZR_TAIL)])

    plsc.subcore_barrier()

    def eb(si):
        return (sbase + si) * SB

    def issue_dst(si, b):
        pltpu.async_copy(ei_hbm.at[1, pl.ds(eb(si), SB)], dstb[b].at[0],
                         sdt[b])

    def wait_dst(si, b):
        pltpu.make_async_copy(ei_hbm.at[1, pl.ds(eb(si), SB)], dstb[b].at[0],
                              sdt[b]).wait()

    def issue_src(si, b):
        pltpu.async_copy(ei_hbm.at[0, pl.ds(eb(si), SB)], srcb[b].at[0],
                         ssr[b])

    def wait_src(si, b):
        pltpu.make_async_copy(ei_hbm.at[0, pl.ds(eb(si), SB)], srcb[b].at[0],
                              ssr[b]).wait()

    def issue_gather(si, b):
        pltpu.async_copy(x_hbm.at[dstb[b].at[0]], xg[b], sg[b])

    def issue_w(si):
        pltpu.async_copy(w_hbm.at[pl.ds(eb(si), SB)], wv, sw0)

    def wait_gather(b):
        pltpu.make_async_copy(x_hbm.at[dstb[b].at[0]], xg[b], sg[b]).wait()

    def wait_w(si):
        pltpu.make_async_copy(w_hbm.at[pl.ds(eb(si), SB)], wv, sw0).wait()

    def compute(b):
        mask = jnp.int32(-65536)

        def mrow(r, _):
            for m in range(D // 32):
                wpk = wv[r, pl.ds(16 * m, 16)]
                sll = pl.ds(16 * m, 16)
                slh = pl.ds(D // 2 + 16 * m, 16)
                wlo = jax.lax.bitcast_convert_type(wpk << 16, jnp.float32)
                whi = jax.lax.bitcast_convert_type(wpk & mask, jnp.float32)
                xg[b][r, sll] = wlo * xg[b][r, sll]
                xg[b][r, slh] = whi * xg[b][r, slh]
            return 0

        lax.fori_loop(0, SB, mrow, 0)

    def scatter_start(b):
        pltpu.async_copy(xg[b], acc_sh.at[srcb[b].at[0]], ss[b], add=True)

    def scatter_wait(b):
        pltpu.make_async_copy(xg[b], acc_sh.at[srcb[b].at[0]], ss[b]).wait()

    issue_dst(0, 0)
    issue_src(0, 0)
    wait_dst(0, 0)
    issue_gather(0, 0)
    issue_w(0)

    def pair(g, _):
        for b in (0, 1):
            si = 2 * g + b
            wait_gather(b)

            @pl.when(si + 1 < NSTR)
            def _next_dst():
                issue_dst(si + 1, 1 - b)

            wait_w(si)
            compute(b)
            wait_src(si, b)
            scatter_start(b)

            @pl.when(si + 1 < NSTR)
            def _next_w():
                issue_w(si + 1)

            @pl.when(si >= 1)
            def _drain():
                scatter_wait(1 - b)

            @pl.when(si + 1 < NSTR)
            def _next_src():
                issue_src(si + 1, 1 - b)

            @pl.when(si + 1 < NSTR)
            def _next_g():
                wait_dst(si + 1, 1 - b)
                issue_gather(si + 1, 1 - b)

        return 0

    lax.fori_loop(0, NSTR // 2, pair, 0)
    scatter_wait(1)

    @pl.when(wid < EXTRA)
    def _extra_stream():
        ebx = (NSTR * NW + wid) * SB
        pltpu.sync_copy(ei_hbm.at[1, pl.ds(ebx, SB)], dst0.at[0])
        pltpu.async_copy(x_hbm.at[dst0.at[0]], xg0, sg0).wait()
        pltpu.sync_copy(ei_hbm.at[0, pl.ds(ebx, SB)], src0.at[0])
        pltpu.async_copy(w_hbm.at[pl.ds(ebx, SB)], wv, sw0).wait()
        compute(0)
        scatter_start(0)
        scatter_wait(0)

    plsc.subcore_barrier()

    pltpu.sync_copy(acc_sh.at[pl.ds(r0, ZR)], out_hbm.at[c, pl.ds(r0, ZR)])

    @pl.when(s == 0)
    def _write_tail():
        pltpu.sync_copy(acc_sh.at[pl.ds(ZR * NS, ZR_TAIL)],
                        out_hbm.at[c, pl.ds(ZR * NS, ZR_TAIL)])


def _sc_gather_scatter(w, x, ei):
    f = functools.partial(
        pl.kernel,
        out_type=jax.ShapeDtypeStruct((NC, N, D), jnp.float32),
        mesh=plsc.VectorSubcoreMesh(core_axis_name="c", subcore_axis_name="s"),
        scratch_types=[
            pltpu.VMEM((1, SB), jnp.int32),
            pltpu.VMEM((1, SB), jnp.int32),
            pltpu.VMEM((1, SB), jnp.int32),
            pltpu.VMEM((1, SB), jnp.int32),
            pltpu.VMEM((SB, D), jnp.float32),
            pltpu.VMEM((SB, D), jnp.float32),
            pltpu.VMEM((SB, D // 2), jnp.int32),
            pltpu.VMEM_SHARED((N, D), jnp.float32),
            pltpu.SemaphoreType.DMA,
            pltpu.SemaphoreType.DMA,
            pltpu.SemaphoreType.DMA,
            pltpu.SemaphoreType.DMA,
            pltpu.SemaphoreType.DMA,
            pltpu.SemaphoreType.DMA,
            pltpu.SemaphoreType.DMA,
            pltpu.SemaphoreType.DMA,
            pltpu.SemaphoreType.DMA,
        ],
    )(_sc_body)
    return f(w, x, ei)


_BN = 5000


def _update_body(p_ref, x_ref, w1_ref, b1_ref, w2_ref, b2_ref, o_ref):
    m = p_ref[0] + p_ref[1]
    u = _ssp(jnp.dot(m, w1_ref[...], preferred_element_type=jnp.float32)
             + b1_ref[...])
    o_ref[...] = (
        x_ref[...]
        + jnp.dot(u, w2_ref[...], preferred_element_type=jnp.float32)
        + b2_ref[...]
    )


def _update_mlp(partials, x, uW1, ub1, uW2, ub2):
    grid = N // _BN
    return pl.pallas_call(
        _update_body,
        grid=(grid,),
        in_specs=[
            pl.BlockSpec((NC, _BN, D), lambda i: (0, i, 0)),
            pl.BlockSpec((_BN, D), lambda i: (i, 0)),
            pl.BlockSpec((D, D), lambda i: (0, 0)),
            pl.BlockSpec((1, D), lambda i: (0, 0)),
            pl.BlockSpec((D, D), lambda i: (0, 0)),
            pl.BlockSpec((1, D), lambda i: (0, 0)),
        ],
        out_specs=pl.BlockSpec((_BN, D), lambda i: (i, 0)),
        out_shape=jax.ShapeDtypeStruct((N, D), jnp.float32),
    )(partials, x, uW1, ub1.reshape(1, D), uW2, ub2.reshape(1, D))


def kernel(x, edge_index, e_ij, fW1, fb1, fW2, fb2, uW1, ub1, uW2, ub2):
    ei = edge_index.astype(jnp.int32)
    w = _filter_mlp(e_ij, fW1, fb1, fW2, fb2)
    partials = _sc_gather_scatter(w, x, ei)
    return _update_mlp(partials, x, uW1, ub1, uW2, ub2)

# --- scband reference (transcript-rebuilt; emitter-appended) ---
"""Pipeline reference for scband-interaction-block-48782238548371 (READ-ONLY COPY).

The authoritative reference and input builder live on the scoring server;
editing this copy changes nothing except your own understanding.
"""

import jax, jax.numpy as jnp
import numpy as np

N = 10000
E = 320000
D_MODEL = 128
N_RBF = 16


def _shifted_softplus(t):
    return jax.nn.softplus(t) - jnp.log(2.0)


def setup_inputs(seed: int = 0) -> dict:
    key = jax.random.key(seed)
    ks = jax.random.split(key, 12)
    x = jax.random.normal(ks[0], (N, D_MODEL), dtype=jnp.float32)
    edge_index = jax.random.randint(ks[1], (2, E), 0, N, dtype=jnp.int64)
    e_ij = jax.random.uniform(ks[2], (E, N_RBF), dtype=jnp.float32)
    s = 0.05
    fW1 = jax.random.normal(ks[3], (N_RBF, D_MODEL), dtype=jnp.float32) * s
    fb1 = jnp.zeros((D_MODEL,), dtype=jnp.float32)
    fW2 = jax.random.normal(ks[4], (D_MODEL, D_MODEL), dtype=jnp.float32) * s
    fb2 = jnp.zeros((D_MODEL,), dtype=jnp.float32)
    uW1 = jax.random.normal(ks[5], (D_MODEL, D_MODEL), dtype=jnp.float32) * s
    ub1 = jnp.zeros((D_MODEL,), dtype=jnp.float32)
    uW2 = jax.random.normal(ks[6], (D_MODEL, D_MODEL), dtype=jnp.float32) * s
    ub2 = jnp.zeros((D_MODEL,), dtype=jnp.float32)
    return {"x": x, "edge_index": edge_index, "e_ij": e_ij,
            "fW1": fW1, "fb1": fb1, "fW2": fW2, "fb2": fb2,
            "uW1": uW1, "ub1": ub1, "uW2": uW2, "ub2": ub2}


def reference(x, edge_index, e_ij, fW1, fb1, fW2, fb2, uW1, ub1, uW2, ub2):
    src_idx = edge_index[0]
    dst_idx = edge_index[1]
    # filter network: Linear -> shifted softplus -> Linear
    h = _shifted_softplus(e_ij @ fW1 + fb1)
    W_ij = h @ fW2 + fb2                      # (E, d_model)
    # filtered messages: gather destination features
    m_ij = W_ij * jnp.take(x, dst_idx, axis=0)  # (E, d_model)
    # scatter-add aggregation to source nodes
    m_i = jnp.zeros((x.shape[0], x.shape[1]), dtype=x.dtype).at[src_idx].add(m_ij)
    # update network + residual
    u = _shifted_softplus(m_i @ uW1 + ub1)
    h_i = u @ uW2 + ub2
    return x + h_i

if __name__ == "__main__":
    import jax
    _d = setup_inputs()
    print(jax.jit(kernel)(*tuple(_d.values())))

</pallas_src>

<mosaic_0001>
#map = affine_map<(d0, d1) -> (0, 0)>
#map1 = affine_map<(d0, d1) -> (0, 0, 0)>
module attributes {stable_mosaic.version = 14 : i64} {
  func.func @_sc_body(%arg0: i32, %arg1: i32, %arg2: memref<320000x64xi32, #tpu.memory_space<hbm>>, %arg3: memref<10000x128xf32, #tpu.memory_space<hbm>>, %arg4: memref<2x320000xi32, #tpu.memory_space<hbm>>, %arg5: memref<2x10000x128xf32, #tpu.memory_space<hbm>>, %arg6: memref<1x128xi32, #tpu.memory_space<vmem>>, %arg7: memref<1x128xi32, #tpu.memory_space<vmem>>, %arg8: memref<1x128xi32, #tpu.memory_space<vmem>>, %arg9: memref<1x128xi32, #tpu.memory_space<vmem>>, %arg10: memref<128x128xf32, #tpu.memory_space<vmem>>, %arg11: memref<128x128xf32, #tpu.memory_space<vmem>>, %arg12: memref<128x64xi32, #tpu.memory_space<vmem>>, %arg13: memref<10000x128xf32, #tpu.memory_space<vmem_shared>>, %arg14: memref<!tpu.dma_semaphore, #tpu.memory_space<semaphore_mem>>, %arg15: memref<!tpu.dma_semaphore, #tpu.memory_space<semaphore_mem>>, %arg16: memref<!tpu.dma_semaphore, #tpu.memory_space<semaphore_mem>>, %arg17: memref<!tpu.dma_semaphore, #tpu.memory_space<semaphore_mem>>, %arg18: memref<!tpu.dma_semaphore, #tpu.memory_space<semaphore_mem>>, %arg19: memref<!tpu.dma_semaphore, #tpu.memory_space<semaphore_mem>>, %arg20: memref<!tpu.dma_semaphore, #tpu.memory_space<semaphore_mem>>, %arg21: memref<!tpu.dma_semaphore, #tpu.memory_space<semaphore_mem>>, %arg22: memref<!tpu.dma_semaphore, #tpu.memory_space<semaphore_mem>>) attributes {dimension_semantics = [#tpu.dimension_semantics<core_parallel>, #tpu.dimension_semantics<subcore_parallel>], iteration_bounds = array<i64: 2, 16>, scalar_prefetch = 0 : i64, scratch_operands = 17 : i64, tpu.core_type = #tpu.core_type<sc_vector_subcore>, window_params = [{transform_indices = #map}, {transform_indices = #map}, {transform_indices = #map}, {transform_indices = #map1}]} {
    %mul3A = arith.constant 2 : i32
    %mul3A_0 = arith.muli %arg1, %mul3A : i32
    %add3A = arith.addi %mul3A_0, %arg0 : i32
    %mul3A_1 = arith.constant 78 : i32
    %mul3A_2 = arith.muli %add3A, %mul3A_1 : i32
    %scan3A = arith.constant 0 : i32
    %scan3A_3 = arith.constant 0 : i32
    %scan3A_4 = arith.constant 128 : i32
    %scan3A_5 = arith.addi %scan3A_3, %scan3A_4 : i32
    %scan3A_6 = arith.constant 1 : i32
    %scan3A_7 = scf.for %scan3A_108 = %scan3A_3 to %scan3A_5 step %scan3A_6 iter_args(%scan3A_109 = %scan3A) -> (i32)  : i32 {
      %broadcast_in_dim3A = arith.constant 0.000000e+00 : f32
      %broadcast_in_dim3A_110 = vector.broadcast %broadcast_in_dim3A : f32 to vector<16xf32>
      %swap3A = arith.index_cast %scan3A_108 : i32 to index
      %swap3A_111 = arith.constant 0 : index
      %swap3A_112 = tpu.vector_load %arg10[%swap3A, %swap3A_111] {strides = array<i32>} : memref<128x128xf32, #tpu.memory_space<vmem>>, vector<1x16xf32>,
      %swap3A_113 = vector.shape_cast %swap3A_112 : vector<1x16xf32> to vector<16xf32>
      %swap3A_114 = vector.shape_cast %broadcast_in_dim3A_110 : vector<16xf32> to vector<1x16xf32>
      tpu.vector_store %arg10[%swap3A, %swap3A_111], %swap3A_114 {strides = array<i32>} : memref<128x128xf32, #tpu.memory_space<vmem>>, vector<1x16xf32>,
      %broadcast_in_dim3A_115 = arith.constant 0.000000e+00 : f32
      %broadcast_in_dim3A_116 = vector.broadcast %broadcast_in_dim3A_115 : f32 to vector<16xf32>
      %swap3A_117 = arith.index_cast %scan3A_108 : i32 to index
      %swap3A_118 = arith.constant 16 : index
      %swap3A_119 = tpu.vector_load %arg10[%swap3A_117, %swap3A_118] {strides = array<i32>} : memref<128x128xf32, #tpu.memory_space<vmem>>, vector<1x16xf32>,
      %swap3A_120 = vector.shape_cast %swap3A_119 : vector<1x16xf32> to vector<16xf32>
      %swap3A_121 = vector.shape_cast %broadcast_in_dim3A_116 : vector<16xf32> to vector<1x16xf32>
      tpu.vector_store %arg10[%swap3A_117, %swap3A_118], %swap3A_121 {strides = array<i32>} : memref<128x128xf32, #tpu.memory_space<vmem>>, vector<1x16xf32>,
      %broadcast_in_dim3A_122 = arith.constant 0.000000e+00 : f32
      %broadcast_in_dim3A_123 = vector.broadcast %broadcast_in_dim3A_122 : f32 to vector<16xf32>
      %swap3A_124 = arith.index_cast %scan3A_108 : i32 to index
      %swap3A_125 = arith.constant 32 : index
      %swap3A_126 = tpu.vector_load %arg10[%swap3A_124, %swap3A_125] {strides = array<i32>} : memref<128x128xf32, #tpu.memory_space<vmem>>, vector<1x16xf32>,
      %swap3A_127 = vector.shape_cast %swap3A_126 : vector<1x16xf32> to vector<16xf32>
      %swap3A_128 = vector.shape_cast %broadcast_in_dim3A_123 : vector<16xf32> to vector<1x16xf32>
      tpu.vector_store %arg10[%swap3A_124, %swap3A_125], %swap3A_128 {strides = array<i32>} : memref<128x128xf32, #tpu.memory_space<vmem>>, vector<1x16xf32>,
      %broadcast_in_dim3A_129 = arith.constant 0.000000e+00 : f32
      %broadcast_in_dim3A_130 = vector.broadcast %broadcast_in_dim3A_129 : f32 to vector<16xf32>
      %swap3A_131 = arith.index_cast %scan3A_108 : i32 to index
      %swap3A_132 = arith.constant 48 : index
      %swap3A_133 = tpu.vector_load %arg10[%swap3A_131, %swap3A_132] {strides = array<i32>} : memref<128x128xf32, #tpu.memory_space<vmem>>, vector<1x16xf32>,
      %swap3A_134 = vector.shape_cast %swap3A_133 : vector<1x16xf32> to vector<16xf32>
      %swap3A_135 = vector.shape_cast %broadcast_in_dim3A_130 : vector<16xf32> to vector<1x16xf32>
      tpu.vector_store %arg10[%swap3A_131, %swap3A_132], %swap3A_135 {strides = array<i32>} : memref<128x128xf32, #tpu.memory_space<vmem>>, vector<1x16xf32>,
      %broadcast_in_dim3A_136 = arith.constant 0.000000e+00 : f32
      %broadcast_in_dim3A_137 = vector.broadcast %broadcast_in_dim3A_136 : f32 to vector<16xf32>
      %swap3A_138 = arith.index_cast %scan3A_108 : i32 to index
      %swap3A_139 = arith.constant 64 : index
      %swap3A_140 = tpu.vector_load %arg10[%swap3A_138, %swap3A_139] {strides = array<i32>} : memref<128x128xf32, #tpu.memory_space<vmem>>, vector<1x16xf32>,
      %swap3A_141 = vector.shape_cast %swap3A_140 : vector<1x16xf32> to vector<16xf32>
      %swap3A_142 = vector.shape_cast %broadcast_in_dim3A_137 : vector<16xf32> to vector<1x16xf32>
      tpu.vector_store %arg10[%swap3A_138, %swap3A_139], %swap3A_142 {strides = array<i32>} : memref<128x128xf32, #tpu.memory_space<vmem>>, vector<1x16xf32>,
      %broadcast_in_dim3A_143 = arith.constant 0.000000e+00 : f32
      %broadcast_in_dim3A_144 = vector.broadcast %broadcast_in_dim3A_143 : f32 to vector<16xf32>
      %swap3A_145 = arith.index_cast %scan3A_108 : i32 to index
      %swap3A_146 = arith.constant 80 : index
      %swap3A_147 = tpu.vector_load %arg10[%swap3A_145, %swap3A_146] {strides = array<i32>} : memref<128x128xf32, #tpu.memory_space<vmem>>, vector<1x16xf32>,
      %swap3A_148 = vector.shape_cast %swap3A_147 : vector<1x16xf32> to vector<16xf32>
      %swap3A_149 = vector.shape_cast %broadcast_in_dim3A_144 : vector<16xf32> to vector<1x16xf32>
      tpu.vector_store %arg10[%swap3A_145, %swap3A_146], %swap3A_149 {strides = array<i32>} : memref<128x128xf32, #tpu.memory_space<vmem>>, vector<1x16xf32>,
      %broadcast_in_dim3A_150 = arith.constant 0.000000e+00 : f32
      %broadcast_in_dim3A_151 = vector.broadcast %broadcast_in_dim3A_150 : f32 to vector<16xf32>
      %swap3A_152 = arith.index_cast %scan3A_108 : i32 to index
      %swap3A_153 = arith.constant 96 : index
      %swap3A_154 = tpu.vector_load %arg10[%swap3A_152, %swap3A_153] {strides = array<i32>} : memref<128x128xf32, #tpu.memory_space<vmem>>, vector<1x16xf32>,
      %swap3A_155 = vector.shape_cast %swap3A_154 : vector<1x16xf32> to vector<16xf32>
      %swap3A_156 = vector.shape_cast %broadcast_in_dim3A_151 : vector<16xf32> to vector<1x16xf32>
      tpu.vector_store %arg10[%swap3A_152, %swap3A_153], %swap3A_156 {strides = array<i32>} : memref<128x128xf32, #tpu.memory_space<vmem>>, vector<1x16xf32>,
      %broadcast_in_dim3A_157 = arith.constant 0.000000e+00 : f32
      %broadcast_in_dim3A_158 = vector.broadcast %broadcast_in_dim3A_157 : f32 to vector<16xf32>
      %swap3A_159 = arith.index_cast %scan3A_108 : i32 to index
      %swap3A_160 = arith.constant 112 : index
      %swap3A_161 = tpu.vector_load %arg10[%swap3A_159, %swap3A_160] {strides = array<i32>} : memref<128x128xf32, #tpu.memory_space<vmem>>, vector<1x16xf32>,
      %swap3A_162 = vector.shape_cast %swap3A_161 : vector<1x16xf32> to vector<16xf32>
      %swap3A_163 = vector.shape_cast %broadcast_in_dim3A_158 : vector<16xf32> to vector<1x16xf32>
      tpu.vector_store %arg10[%swap3A_159, %swap3A_160], %swap3A_163 {strides = array<i32>} : memref<128x128xf32, #tpu.memory_space<vmem>>, vector<1x16xf32>,
      %scan3A_164 = arith.constant 0 : i32
      scf.yield %scan3A_164 : i32
    }
    %scan3A_8 = arith.constant 128 : i32
    %mul3A_9 = arith.constant 624 : i32
    %mul3A_10 = arith.muli %arg1, %mul3A_9 : i32
    %add3A_11 = arith.constant 0 : i32
    %add3A_12 = arith.addi %mul3A_10, %add3A_11 : i32
    "tpu.region"() ({
      %run_scoped3A = tpu.sem_alloc : memref<!tpu.dma_semaphore, #tpu.memory_space<semaphore_mem>>
      %dma_start3A_108 = arith.constant 0 : i32
      %dma_start3A_109 = tpu.memref_slice %arg13[%add3A_12, %dma_start3A_108] : memref<10000x128xf32, #tpu.memory_space<vmem_shared>> -> memref<128x128xf32, #tpu.memory_space<vmem_shared>>
      %dma_start3A_110 = arith.constant 0 : i32
      %dma_start3A_111 = tpu.memref_slice %arg13[%add3A_12, %dma_start3A_110] : memref<10000x128xf32, #tpu.memory_space<vmem_shared>> -> memref<128x128xf32, #tpu.memory_space<vmem_shared>>
      tpu.enqueue_dma source(%arg10 : memref<128x128xf32, #tpu.memory_space<vmem>>) target(%dma_start3A_111 : memref<128x128xf32, #tpu.memory_space<vmem_shared>>) target_semaphore(%run_scoped3A : memref<!tpu.dma_semaphore, #tpu.memory_space<semaphore_mem>>)
      %dma_wait3A_112 = arith.constant 0 : i32
      %dma_wait3A_113 = tpu.memref_slice %arg13[%add3A_12, %dma_wait3A_112] : memref<10000x128xf32, #tpu.memory_space<vmem_shared>> -> memref<128x128xf32, #tpu.memory_space<vmem_shared>>
      %dma_wait3A_114 = arith.constant 0 : i32
      %dma_wait3A_115 = tpu.memref_slice %arg13[%add3A_12, %dma_wait3A_114] : memref<10000x128xf32, #tpu.memory_space<vmem_shared>> -> memref<128x128xf32, #tpu.memory_space<vmem_shared>>
      tpu.wait_dma2 semaphore(%run_scoped3A : memref<!tpu.dma_semaphore, #tpu.memory_space<semaphore_mem>>) src(%arg10 : memref<128x128xf32, #tpu.memory_space<vmem>>) dst(%dma_wait3A_115 : memref<128x128xf32, #tpu.memory_space<vmem_shared>>)
      tpu.yield
    }) : () -> ()
    %add3A_13 = arith.constant 128 : i32
    %add3A_14 = arith.addi %mul3A_10, %add3A_13 : i32
    "tpu.region"() ({
      %run_scoped3A = tpu.sem_alloc : memref<!tpu.dma_semaphore, #tpu.memory_space<semaphore_mem>>
      %dma_start3A_108 = arith.constant 0 : i32
      %dma_start3A_109 = tpu.memref_slice %arg13[%add3A_14, %dma_start3A_108] : memref<10000x128xf32, #tpu.memory_space<vmem_shared>> -> memref<128x128xf32, #tpu.memory_space<vmem_shared>>
      %dma_start3A_110 = arith.constant 0 : i32
      %dma_start3A_111 = tpu.memref_slice %arg13[%add3A_14, %dma_start3A_110] : memref<10000x128xf32, #tpu.memory_space<vmem_shared>> -> memref<128x128xf32, #tpu.memory_space<vmem_shared>>
      tpu.enqueue_dma source(%arg10 : memref<128x128xf32, #tpu.memory_space<vmem>>) target(%dma_start3A_111 : memref<128x128xf32, #tpu.memory_space<vmem_shared>>) target_semaphore(%run_scoped3A : memref<!tpu.dma_semaphore, #tpu.memory_space<semaphore_mem>>)
      %dma_wait3A_112 = arith.constant 0 : i32
      %dma_wait3A_113 = tpu.memref_slice %arg13[%add3A_14, %dma_wait3A_112] : memref<10000x128xf32, #tpu.memory_space<vmem_shared>> -> memref<128x128xf32, #tpu.memory_space<vmem_shared>>
      %dma_wait3A_114 = arith.constant 0 : i32
      %dma_wait3A_115 = tpu.memref_slice %arg13[%add3A_14, %dma_wait3A_114] : memref<10000x128xf32, #tpu.memory_space<vmem_shared>> -> memref<128x128xf32, #tpu.memory_space<vmem_shared>>
      tpu.wait_dma2 semaphore(%run_scoped3A : memref<!tpu.dma_semaphore, #tpu.memory_space<semaphore_mem>>) src(%arg10 : memref<128x128xf32, #tpu.memory_space<vmem>>) dst(%dma_wait3A_115 : memref<128x128xf32, #tpu.memory_space<vmem_shared>>)
      tpu.yield
    }) : () -> ()
    %add3A_15 = arith.constant 256 : i32
    %add3A_16 = arith.addi %mul3A_10, %add3A_15 : i32
    "tpu.region"() ({
      %run_scoped3A = tpu.sem_alloc : memref<!tpu.dma_semaphore, #tpu.memory_space<semaphore_mem>>
      %dma_start3A_108 = arith.constant 0 : i32
      %dma_start3A_109 = tpu.memref_slice %arg13[%add3A_16, %dma_start3A_108] : memref<10000x128xf32, #tpu.memory_space<vmem_shared>> -> memref<128x128xf32, #tpu.memory_space<vmem_shared>>
      %dma_start3A_110 = arith.constant 0 : i32
      %dma_start3A_111 = tpu.memref_slice %arg13[%add3A_16, %dma_start3A_110] : memref<10000x128xf32, #tpu.memory_space<vmem_shared>> -> memref<128x128xf32, #tpu.memory_space<vmem_shared>>
      tpu.enqueue_dma source(%arg10 : memref<128x128xf32, #tpu.memory_space<vmem>>) target(%dma_start3A_111 : memref<128x128xf32, #tpu.memory_space<vmem_shared>>) target_semaphore(%run_scoped3A : memref<!tpu.dma_semaphore, #tpu.memory_space<semaphore_mem>>)
      %dma_wait3A_112 = arith.constant 0 : i32
      %dma_wait3A_113 = tpu.memref_slice %arg13[%add3A_16, %dma_wait3A_112] : memref<10000x128xf32, #tpu.memory_space<vmem_shared>> -> memref<128x128xf32, #tpu.memory_space<vmem_shared>>
      %dma_wait3A_114 = arith.constant 0 : i32
      %dma_wait3A_115 = tpu.memref_slice %arg13[%add3A_16, %dma_wait3A_114] : memref<10000x128xf32, #tpu.memory_space<vmem_shared>> -> memref<128x128xf32, #tpu.memory_space<vmem_shared>>
      tpu.wait_dma2 semaphore(%run_scoped3A : memref<!tpu.dma_semaphore, #tpu.memory_space<semaphore_mem>>) src(%arg10 : memref<128x128xf32, #tpu.memory_space<vmem>>) dst(%dma_wait3A_115 : memref<128x128xf32, #tpu.memory_space<vmem_shared>>)
      tpu.yield
    }) : () -> ()
    %add3A_17 = arith.constant 384 : i32
    %add3A_18 = arith.addi %mul3A_10, %add3A_17 : i32
    "tpu.region"() ({
      %run_scoped3A = tpu.sem_alloc : memref<!tpu.dma_semaphore, #tpu.memory_space<semaphore_mem>>
      %dma_start3A_108 = arith.constant 0 : i32
      %dma_start3A_109 = tpu.memref_slice %arg13[%add3A_18, %dma_start3A_108] : memref<10000x128xf32, #tpu.memory_space<vmem_shared>> -> memref<128x128xf32, #tpu.memory_space<vmem_shared>>
      %dma_start3A_110 = arith.constant 0 : i32
      %dma_start3A_111 = tpu.memref_slice %arg13[%add3A_18, %dma_start3A_110] : memref<10000x128xf32, #tpu.memory_space<vmem_shared>> -> memref<128x128xf32, #tpu.memory_space<vmem_shared>>
      tpu.enqueue_dma source(%arg10 : memref<128x128xf32, #tpu.memory_space<vmem>>) target(%dma_start3A_111 : memref<128x128xf32, #tpu.memory_space<vmem_shared>>) target_semaphore(%run_scoped3A : memref<!tpu.dma_semaphore, #tpu.memory_space<semaphore_mem>>)
      %dma_wait3A_112 = arith.constant 0 : i32
      %dma_wait3A_113 = tpu.memref_slice %arg13[%add3A_18, %dma_wait3A_112] : memref<10000x128xf32, #tpu.memory_space<vmem_shared>> -> memref<128x128xf32, #tpu.memory_space<vmem_shared>>
      %dma_wait3A_114 = arith.constant 0 : i32
      %dma_wait3A_115 = tpu.memref_slice %arg13[%add3A_18, %dma_wait3A_114] : memref<10000x128xf32, #tpu.memory_space<vmem_shared>> -> memref<128x128xf32, #tpu.memory_space<vmem_shared>>
      tpu.wait_dma2 semaphore(%run_scoped3A : memref<!tpu.dma_semaphore, #tpu.memory_space<semaphore_mem>>) src(%arg10 : memref<128x128xf32, #tpu.memory_space<vmem>>) dst(%dma_wait3A_115 : memref<128x128xf32, #tpu.memory_space<vmem_shared>>)
      tpu.yield
    }) : () -> ()
    %add3A_19 = arith.constant 512 : i32
    %add3A_20 = arith.addi %mul3A_10, %add3A_19 : i32
    "tpu.region"() ({
      %run_scoped3A = tpu.sem_alloc : memref<!tpu.dma_semaphore, #tpu.memory_space<semaphore_mem>>
      %dma_start3A_108 = arith.constant 0 : i32
      %dma_start3A_109 = arith.constant 0 : i32
      %dma_start3A_110 = tpu.memref_slice %arg10[%dma_start3A_108, %dma_start3A_109] : memref<128x128xf32, #tpu.memory_space<vmem>> -> memref<112x128xf32, #tpu.memory_space<vmem>>
      %dma_start3A_111 = arith.constant 0 : i32
      %dma_start3A_112 = tpu.memref_slice %arg13[%add3A_20, %dma_start3A_111] : memref<10000x128xf32, #tpu.memory_space<vmem_shared>> -> memref<112x128xf32, #tpu.memory_space<vmem_shared>>
      %dma_start3A_113 = arith.constant 0 : i32
      %dma_start3A_114 = tpu.memref_slice %arg13[%add3A_20, %dma_start3A_113] : memref<10000x128xf32, #tpu.memory_space<vmem_shared>> -> memref<112x128xf32, #tpu.memory_space<vmem_shared>>
      %dma_start3A_115 = arith.constant 0 : i32
      %dma_start3A_116 = arith.constant 0 : i32
      %dma_start3A_117 = tpu.memref_slice %arg10[%dma_start3A_115, %dma_start3A_116] : memref<128x128xf32, #tpu.memory_space<vmem>> -> memref<112x128xf32, #tpu.memory_space<vmem>>
      tpu.enqueue_dma source(%dma_start3A_117 : memref<112x128xf32, #tpu.memory_space<vmem>>) target(%dma_start3A_114 : memref<112x128xf32, #tpu.memory_space<vmem_shared>>) target_semaphore(%run_scoped3A : memref<!tpu.dma_semaphore, #tpu.memory_space<semaphore_mem>>)
      %dma_wait3A_118 = arith.constant 0 : i32
      %dma_wait3A_119 = arith.constant 0 : i32
      %dma_wait3A_120 = tpu.memref_slice %arg10[%dma_wait3A_118, %dma_wait3A_119] : memref<128x128xf32, #tpu.memory_space<vmem>> -> memref<112x128xf32, #tpu.memory_space<vmem>>
      %dma_wait3A_121 = arith.constant 0 : i32
      %dma_wait3A_122 = tpu.memref_slice %arg13[%add3A_20, %dma_wait3A_121] : memref<10000x128xf32, #tpu.memory_space<vmem_shared>> -> memref<112x128xf32, #tpu.memory_space<vmem_shared>>
      %dma_wait3A_123 = arith.constant 0 : i32
      %dma_wait3A_124 = tpu.memref_slice %arg13[%add3A_20, %dma_wait3A_123] : memref<10000x128xf32, #tpu.memory_space<vmem_shared>> -> memref<112x128xf32, #tpu.memory_space<vmem_shared>>
      %dma_wait3A_125 = arith.constant 0 : i32
      %dma_wait3A_126 = arith.constant 0 : i32
      %dma_wait3A_127 = tpu.memref_slice %arg10[%dma_wait3A_125, %dma_wait3A_126] : memref<128x128xf32, #tpu.memory_space<vmem>> -> memref<112x128xf32, #tpu.memory_space<vmem>>
      tpu.wait_dma2 semaphore(%run_scoped3A : memref<!tpu.dma_semaphore, #tpu.memory_space<semaphore_mem>>) src(%dma_wait3A_127 : memref<112x128xf32, #tpu.memory_space<vmem>>) dst(%dma_wait3A_124 : memref<112x128xf32, #tpu.memory_space<vmem_shared>>)
      tpu.yield
    }) : () -> ()
    %eq3A = arith.constant 0 : i32
    %eq3A_21 = arith.cmpi eq, %arg1, %eq3A : i32
    %convert_element_type3A = arith.extui %eq3A_21 : i1 to i32
    %cond3A = arith.constant 0 : i32
    %cond3A_22 = arith.cmpi ne, %convert_element_type3A, %cond3A : i32
    scf.if %cond3A_22 {
      "tpu.region"() ({
        %run_scoped3A = tpu.sem_alloc : memref<!tpu.dma_semaphore, #tpu.memory_space<semaphore_mem>>
        %dma_start3A_108 = arith.constant 0 : i32
        %dma_start3A_109 = arith.constant 0 : i32
        %dma_start3A_110 = tpu.memref_slice %arg10[%dma_start3A_108, %dma_start3A_109] : memref<128x128xf32, #tpu.memory_space<vmem>> -> memref<16x128xf32, #tpu.memory_space<vmem>>
        %dma_start3A_111 = arith.constant 9984 : i32
        %dma_start3A_112 = arith.constant 0 : i32
        %dma_start3A_113 = tpu.memref_slice %arg13[%dma_start3A_111, %dma_start3A_112] : memref<10000x128xf32, #tpu.memory_space<vmem_shared>> -> memref<16x128xf32, #tpu.memory_space<vmem_shared>>
        %dma_start3A_114 = arith.constant 9984 : i32
        %dma_start3A_115 = arith.constant 0 : i32
        %dma_start3A_116 = tpu.memref_slice %arg13[%dma_start3A_114, %dma_start3A_115] : memref<10000x128xf32, #tpu.memory_space<vmem_shared>> -> memref<16x128xf32, #tpu.memory_space<vmem_shared>>
        %dma_start3A_117 = arith.constant 0 : i32
        %dma_start3A_118 = arith.constant 0 : i32
        %dma_start3A_119 = tpu.memref_slice %arg10[%dma_start3A_117, %dma_start3A_118] : memref<128x128xf32, #tpu.memory_space<vmem>> -> memref<16x128xf32, #tpu.memory_space<vmem>>
        tpu.enqueue_dma source(%dma_start3A_119 : memref<16x128xf32, #tpu.memory_space<vmem>>) target(%dma_start3A_116 : memref<16x128xf32, #tpu.memory_space<vmem_shared>>) target_semaphore(%run_scoped3A : memref<!tpu.dma_semaphore, #tpu.memory_space<semaphore_mem>>)
        %dma_wait3A_120 = arith.constant 0 : i32
        %dma_wait3A_121 = arith.constant 0 : i32
        %dma_wait3A_122 = tpu.memref_slice %arg10[%dma_wait3A_120, %dma_wait3A_121] : memref<128x128xf32, #tpu.memory_space<vmem>> -> memref<16x128xf32, #tpu.memory_space<vmem>>
        %dma_wait3A_123 = arith.constant 9984 : i32
        %dma_wait3A_124 = arith.constant 0 : i32
        %dma_wait3A_125 = tpu.memref_slice %arg13[%dma_wait3A_123, %dma_wait3A_124] : memref<10000x128xf32, #tpu.memory_space<vmem_shared>> -> memref<16x128xf32, #tpu.memory_space<vmem_shared>>
        %dma_wait3A_126 = arith.constant 9984 : i32
        %dma_wait3A_127 = arith.constant 0 : i32
        %dma_wait3A_128 = tpu.memref_slice %arg13[%dma_wait3A_126, %dma_wait3A_127] : memref<10000x128xf32, #tpu.memory_space<vmem_shared>> -> memref<16x128xf32, #tpu.memory_space<vmem_shared>>
        %dma_wait3A_129 = arith.constant 0 : i32
        %dma_wait3A_130 = arith.constant 0 : i32
        %dma_wait3A_131 = tpu.memref_slice %arg10[%dma_wait3A_129, %dma_wait3A_130] : memref<128x128xf32, #tpu.memory_space<vmem>> -> memref<16x128xf32, #tpu.memory_space<vmem>>
        tpu.wait_dma2 semaphore(%run_scoped3A : memref<!tpu.dma_semaphore, #tpu.memory_space<semaphore_mem>>) src(%dma_wait3A_131 : memref<16x128xf32, #tpu.memory_space<vmem>>) dst(%dma_wait3A_128 : memref<16x128xf32, #tpu.memory_space<vmem_shared>>)
        tpu.yield
      }) : () -> ()
    } else {
    }
    %barrier3A = arith.constant 0 : index
    tpu.barrier barrier_id(%barrier3A)
    %add3A_23 = arith.constant 0 : i32
    %add3A_24 = arith.addi %mul3A_2, %add3A_23 : i32
    %mul3A_25 = arith.constant 128 : i32
    %mul3A_26 = arith.muli %add3A_24, %mul3A_25 : i32
    %dma_start3A = arith.constant 1 : i32
    %dma_start3A_27 = arith.constant 0 : i32
    %dma_start3A_28 = arith.constant 0 : i32
    %dma_start3A_29 = tpu.memref_slice %arg8[%dma_start3A_27, %dma_start3A_28] : memref<1x128xi32, #tpu.memory_space<vmem>> -> memref<1x128xi32, #tpu.memory_space<vmem>>
    %dma_start3A_30 = tpu.memref_squeeze %dma_start3A_29 : memref<1x128xi32, #tpu.memory_space<vmem>> -> memref<128xi32, #tpu.memory_space<vmem>>
    %dma_start3A_31 = tpu.memref_slice %arg4[%dma_start3A, %mul3A_26] : memref<2x320000xi32, #tpu.memory_space<hbm>> -> memref<1x128xi32, #tpu.memory_space<hbm>>
    %dma_start3A_32 = tpu.memref_squeeze %dma_start3A_31 : memref<1x128xi32, #tpu.memory_space<hbm>> -> memref<128xi32, #tpu.memory_space<hbm>>
    %dma_start3A_33 = arith.constant 0 : i32
    %dma_start3A_34 = tpu.memref_slice %arg8[%dma_start3A_27, %dma_start3A_33] : memref<1x128xi32, #tpu.memory_space<vmem>> -> memref<1x128xi32, #tpu.memory_space<vmem>>
    %dma_start3A_35 = tpu.memref_squeeze %dma_start3A_34 : memref<1x128xi32, #tpu.memory_space<vmem>> -> memref<128xi32, #tpu.memory_space<vmem>>
    %dma_start3A_36 = tpu.memref_slice %arg4[%dma_start3A, %mul3A_26] : memref<2x320000xi32, #tpu.memory_space<hbm>> -> memref<1x128xi32, #tpu.memory_space<hbm>>
    %dma_start3A_37 = tpu.memref_squeeze %dma_start3A_36 : memref<1x128xi32, #tpu.memory_space<hbm>> -> memref<128xi32, #tpu.memory_space<hbm>>
    tpu.enqueue_dma source(%dma_start3A_37 : memref<128xi32, #tpu.memory_space<hbm>>) target(%dma_start3A_35 : memref<128xi32, #tpu.memory_space<vmem>>) target_semaphore(%arg19 : memref<!tpu.dma_semaphore, #tpu.memory_space<semaphore_mem>>)
    %add3A_38 = arith.constant 0 : i32
    %add3A_39 = arith.addi %mul3A_2, %add3A_38 : i32
    %mul3A_40 = arith.constant 128 : i32
    %mul3A_41 = arith.muli %add3A_39, %mul3A_40 : i32
    %dma_start3A_42 = arith.constant 0 : i32
    %dma_start3A_43 = arith.constant 0 : i32
    %dma_start3A_44 = arith.constant 0 : i32
    %dma_start3A_45 = tpu.memref_slice %arg6[%dma_start3A_43, %dma_start3A_44] : memref<1x128xi32, #tpu.memory_space<vmem>> -> memref<1x128xi32, #tpu.memory_space<vmem>>
    %dma_start3A_46 = tpu.memref_squeeze %dma_start3A_45 : memref<1x128xi32, #tpu.memory_space<vmem>> -> memref<128xi32, #tpu.memory_space<vmem>>
    %dma_start3A_47 = tpu.memref_slice %arg4[%dma_start3A_42, %mul3A_41] : memref<2x320000xi32, #tpu.memory_space<hbm>> -> memref<1x128xi32, #tpu.memory_space<hbm>>
    %dma_start3A_48 = tpu.memref_squeeze %dma_start3A_47 : memref<1x128xi32, #tpu.memory_space<hbm>> -> memref<128xi32, #tpu.memory_space<hbm>>
    %dma_start3A_49 = arith.constant 0 : i32
    %dma_start3A_50 = tpu.memref_slice %arg6[%dma_start3A_43, %dma_start3A_49] : memref<1x128xi32, #tpu.memory_space<vmem>> -> memref<1x128xi32, #tpu.memory_space<vmem>>
    %dma_start3A_51 = tpu.memref_squeeze %dma_start3A_50 : memref<1x128xi32, #tpu.memory_space<vmem>> -> memref<128xi32, #tpu.memory_space<vmem>>
    %dma_start3A_52 = tpu.memref_slice %arg4[%dma_start3A_42, %mul3A_41] : memref<2x320000xi32, #tpu.memory_space<hbm>> -> memref<1x128xi32, #tpu.memory_space<hbm>>
    %dma_start3A_53 = tpu.memref_squeeze %dma_start3A_52 : memref<1x128xi32, #tpu.memory_space<hbm>> -> memref<128xi32, #tpu.memory_space<hbm>>
    tpu.enqueue_dma source(%dma_start3A_53 : memref<128xi32, #tpu.memory_space<hbm>>) target(%dma_start3A_51 : memref<128xi32, #tpu.memory_space<vmem>>) target_semaphore(%arg21 : memref<!tpu.dma_semaphore, #tpu.memory_space<semaphore_mem>>)
    %add3A_54 = arith.constant 0 : i32
    %add3A_55 = arith.addi %mul3A_2, %add3A_54 : i32
    %mul3A_56 = arith.constant 128 : i32
    %mul3A_57 = arith.muli %add3A_55, %mul3A_56 : i32
    %dma_wait3A = arith.constant 1 : i32
    %dma_wait3A_58 = arith.constant 0 : i32
    %dma_wait3A_59 = arith.constant 0 : i32
    %dma_wait3A_60 = tpu.memref_slice %arg8[%dma_wait3A_58, %dma_wait3A_59] : memref<1x128xi32, #tpu.memory_space<vmem>> -> memref<1x128xi32, #tpu.memory_space<vmem>>
    %dma_wait3A_61 = tpu.memref_squeeze %dma_wait3A_60 : memref<1x128xi32, #tpu.memory_space<vmem>> -> memref<128xi32, #tpu.memory_space<vmem>>
    %dma_wait3A_62 = tpu.memref_slice %arg4[%dma_wait3A, %mul3A_57] : memref<2x320000xi32, #tpu.memory_space<hbm>> -> memref<1x128xi32, #tpu.memory_space<hbm>>
    %dma_wait3A_63 = tpu.memref_squeeze %dma_wait3A_62 : memref<1x128xi32, #tpu.memory_space<hbm>> -> memref<128xi32, #tpu.memory_space<hbm>>
    %dma_wait3A_64 = arith.constant 0 : i32
    %dma_wait3A_65 = tpu.memref_slice %arg8[%dma_wait3A_58, %dma_wait3A_64] : memref<1x128xi32, #tpu.memory_space<vmem>> -> memref<1x128xi32, #tpu.memory_space<vmem>>
    %dma_wait3A_66 = tpu.memref_squeeze %dma_wait3A_65 : memref<1x128xi32, #tpu.memory_space<vmem>> -> memref<128xi32, #tpu.memory_space<vmem>>
    %dma_wait3A_67 = tpu.memref_slice %arg4[%dma_wait3A, %mul3A_57] : memref<2x320000xi32, #tpu.memory_space<hbm>> -> memref<1x128xi32, #tpu.memory_space<hbm>>
    %dma_wait3A_68 = tpu.memref_squeeze %dma_wait3A_67 : memref<1x128xi32, #tpu.memory_space<hbm>> -> memref<128xi32, #tpu.memory_space<hbm>>
    tpu.wait_dma2 semaphore(%arg19 : memref<!tpu.dma_semaphore, #tpu.memory_space<semaphore_mem>>) src(%dma_wait3A_68 : memref<128xi32, #tpu.memory_space<hbm>>) dst(%dma_wait3A_66 : memref<128xi32, #tpu.memory_space<vmem>>)
    %dma_start3A_69 = arith.constant 0 : i32
    %dma_start3A_70 = arith.constant 0 : i32
    %dma_start3A_71 = tpu.memref_slice %arg8[%dma_start3A_69, %dma_start3A_70] : memref<1x128xi32, #tpu.memory_space<vmem>> -> memref<1x128xi32, #tpu.memory_space<vmem>>
    %dma_start3A_72 = tpu.memref_squeeze %dma_start3A_71 : memref<1x128xi32, #tpu.memory_space<vmem>> -> memref<128xi32, #tpu.memory_space<vmem>>
    %dma_start3A_73 = arith.constant 0 : i32
    %dma_start3A_74 = arith.constant 0 : i32
    %dma_start3A_75 = tpu.memref_slice %arg3[%dma_start3A_73, %dma_start3A_74] : memref<10000x128xf32, #tpu.memory_space<hbm>> -> memref<10000x128xf32, #tpu.memory_space<hbm>>
    tpu.enqueue_indirect_dma source(%dma_start3A_75 : memref<10000x128xf32, #tpu.memory_space<hbm>>) target(%arg10 : memref<128x128xf32, #tpu.memory_space<vmem>>) offsets(%dma_start3A_72 : memref<128xi32, #tpu.memory_space<vmem>>) semaphore(%arg14 : memref<!tpu.dma_semaphore, #tpu.memory_space<semaphore_mem>>)
    %add3A_76 = arith.constant 0 : i32
    %add3A_77 = arith.addi %mul3A_2, %add3A_76 : i32
    %mul3A_78 = arith.constant 128 : i32
    %mul3A_79 = arith.muli %add3A_77, %mul3A_78 : i32
    %dma_start3A_80 = arith.constant 0 : i32
    %dma_start3A_81 = tpu.memref_slice %arg2[%mul3A_79, %dma_start3A_80] : memref<320000x64xi32, #tpu.memory_space<hbm>> -> memref<128x64xi32, #tpu.memory_space<hbm>>
    %dma_start3A_82 = arith.constant 0 : i32
    %dma_start3A_83 = tpu.memref_slice %arg2[%mul3A_79, %dma_start3A_82] : memref<320000x64xi32, #tpu.memory_space<hbm>> -> memref<128x64xi32, #tpu.memory_space<hbm>>
    tpu.enqueue_dma source(%dma_start3A_83 : memref<128x64xi32, #tpu.memory_space<hbm>>) target(%arg12 : memref<128x64xi32, #tpu.memory_space<vmem>>) target_semaphore(%arg16 : memref<!tpu.dma_semaphore, #tpu.memory_space<semaphore_mem>>)
    %scan3A_84 = arith.constant 0 : i32
    %scan3A_85 = arith.constant 0 : i32
    %scan3A_86 = arith.constant 39 : i32
    %scan3A_87 = arith.addi %scan3A_85, %scan3A_86 : i32
    %scan3A_88 = arith.constant 1 : i32
    %scan3A_89 = scf.for %scan3A_108 = %scan3A_85 to %scan3A_87 step %scan3A_88 iter_args(%scan3A_109 = %scan3A_84) -> (i32)  : i32 {
      %mul3A_110 = arith.constant 2 : i32
      %mul3A_111 = arith.muli %mul3A_110, %scan3A_108 : i32
      %add3A_112 = arith.constant 0 : i32
      %add3A_113 = arith.addi %mul3A_111, %add3A_112 : i32
      %dma_wait3A_114 = arith.constant 0 : i32
      %dma_wait3A_115 = arith.constant 0 : i32
      %dma_wait3A_116 = tpu.memref_slice %arg8[%dma_wait3A_114, %dma_wait3A_115] : memref<1x128xi32, #tpu.memory_space<vmem>> -> memref<1x128xi32, #tpu.memory_space<vmem>>
      %dma_wait3A_117 = tpu.memref_squeeze %dma_wait3A_116 : memref<1x128xi32, #tpu.memory_space<vmem>> -> memref<128xi32, #tpu.memory_space<vmem>>
      %dma_wait3A_118 = arith.constant 0 : i32
      %dma_wait3A_119 = arith.constant 0 : i32
      %dma_wait3A_120 = tpu.memref_slice %arg3[%dma_wait3A_118, %dma_wait3A_119] : memref<10000x128xf32, #tpu.memory_space<hbm>> -> memref<10000x128xf32, #tpu.memory_space<hbm>>
      tpu.wait_indirect_dma semaphore(%arg14 : memref<!tpu.dma_semaphore, #tpu.memory_space<semaphore_mem>>) src(%dma_wait3A_120 : memref<10000x128xf32, #tpu.memory_space<hbm>>) dst(%arg10 : memref<128x128xf32, #tpu.memory_space<vmem>>)
      %add3A_121 = arith.constant 1 : i32
      %add3A_122 = arith.addi %add3A_113, %add3A_121 : i32
      %lt3A_123 = arith.constant 78 : i32
      %lt3A_124 = arith.cmpi slt, %add3A_122, %lt3A_123 : i32
      %convert_element_type3A_125 = arith.extui %lt3A_124 : i1 to i32
      %cond3A_126 = arith.constant 0 : i32
      %cond3A_127 = arith.cmpi ne, %convert_element_type3A_125, %cond3A_126 : i32
      scf.if %cond3A_127 {
        %add3A_272 = arith.constant 1 : i32
        %add3A_273 = arith.addi %add3A_113, %add3A_272 : i32
        %add3A_274 = arith.addi %mul3A_2, %add3A_273 : i32
        %mul3A_275 = arith.constant 128 : i32
        %mul3A_276 = arith.muli %add3A_274, %mul3A_275 : i32
        %dma_start3A_277 = arith.constant 1 : i32
        %dma_start3A_278 = arith.constant 0 : i32
        %dma_start3A_279 = arith.constant 0 : i32
        %dma_start3A_280 = tpu.memref_slice %arg9[%dma_start3A_278, %dma_start3A_279] : memref<1x128xi32, #tpu.memory_space<vmem>> -> memref<1x128xi32, #tpu.memory_space<vmem>>
        %dma_start3A_281 = tpu.memref_squeeze %dma_start3A_280 : memref<1x128xi32, #tpu.memory_space<vmem>> -> memref<128xi32, #tpu.memory_space<vmem>>
        %dma_start3A_282 = tpu.memref_slice %arg4[%dma_start3A_277, %mul3A_276] : memref<2x320000xi32, #tpu.memory_space<hbm>> -> memref<1x128xi32, #tpu.memory_space<hbm>>
        %dma_start3A_283 = tpu.memref_squeeze %dma_start3A_282 : memref<1x128xi32, #tpu.memory_space<hbm>> -> memref<128xi32, #tpu.memory_space<hbm>>
        %dma_start3A_284 = arith.constant 0 : i32
        %dma_start3A_285 = tpu.memref_slice %arg9[%dma_start3A_278, %dma_start3A_284] : memref<1x128xi32, #tpu.memory_space<vmem>> -> memref<1x128xi32, #tpu.memory_space<vmem>>
        %dma_start3A_286 = tpu.memref_squeeze %dma_start3A_285 : memref<1x128xi32, #tpu.memory_space<vmem>> -> memref<128xi32, #tpu.memory_space<vmem>>
        %dma_start3A_287 = tpu.memref_slice %arg4[%dma_start3A_277, %mul3A_276] : memref<2x320000xi32, #tpu.memory_space<hbm>> -> memref<1x128xi32, #tpu.memory_space<hbm>>
        %dma_start3A_288 = tpu.memref_squeeze %dma_start3A_287 : memref<1x128xi32, #tpu.memory_space<hbm>> -> memref<128xi32, #tpu.memory_space<hbm>>
        tpu.enqueue_dma source(%dma_start3A_288 : memref<128xi32, #tpu.memory_space<hbm>>) target(%dma_start3A_286 : memref<128xi32, #tpu.memory_space<vmem>>) target_semaphore(%arg20 : memref<!tpu.dma_semaphore, #tpu.memory_space<semaphore_mem>>)
      } else {
      }
      %add3A_128 = arith.addi %mul3A_2, %add3A_113 : i32
      %mul3A_129 = arith.constant 128 : i32
      %mul3A_130 = arith.muli %add3A_128, %mul3A_129 : i32
      %dma_wait3A_131 = arith.constant 0 : i32
      %dma_wait3A_132 = tpu.memref_slice %arg2[%mul3A_130, %dma_wait3A_131] : memref<320000x64xi32, #tpu.memory_space<hbm>> -> memref<128x64xi32, #tpu.memory_space<hbm>>
      %dma_wait3A_133 = arith.constant 0 : i32
      %dma_wait3A_134 = tpu.memref_slice %arg2[%mul3A_130, %dma_wait3A_133] : memref<320000x64xi32, #tpu.memory_space<hbm>> -> memref<128x64xi32, #tpu.memory_space<hbm>>
      tpu.wait_dma2 semaphore(%arg16 : memref<!tpu.dma_semaphore, #tpu.memory_space<semaphore_mem>>) src(%dma_wait3A_134 : memref<128x64xi32, #tpu.memory_space<hbm>>) dst(%arg12 : memref<128x64xi32, #tpu.memory_space<vmem>>)
      %scan3A_135 = arith.constant -65536 : i32
      %scan3A_136 = arith.constant 0 : i32
      %scan3A_137 = arith.constant 0 : i32
      %scan3A_138 = arith.constant 128 : i32
      %scan3A_139 = arith.addi %scan3A_137, %scan3A_138 : i32
      %scan3A_140 = arith.constant 1 : i32
      %scan3A_141 = scf.for %scan3A_272 = %scan3A_137 to %scan3A_139 step %scan3A_140 iter_args(%scan3A_273 = %scan3A_136) -> (i32)  : i32 {
        %get3A = arith.index_cast %scan3A_272 : i32 to index
        %get3A_274 = arith.constant 0 : index
        %get3A_275 = tpu.vector_load %arg12[%get3A, %get3A_274] {strides = array<i32>} : memref<128x64xi32, #tpu.memory_space<vmem>>, vector<1x16xi32>,
        %get3A_276 = vector.shape_cast %get3A_275 : vector<1x16xi32> to vector<16xi32>
        %shift_left3A = arith.constant 16 : i32
        %shift_left3A_277 = vector.broadcast %shift_left3A : i32 to vector<16xi32>
        %shift_left3A_278 = arith.shli %get3A_276, %shift_left3A_277 : vector<16xi32>
        %bitcast_convert_type3A = tpu.bitcast %shift_left3A_278 : vector<16xi32> -> vector<16xf32>
        %and3A = vector.broadcast %scan3A_135 : i32 to vector<16xi32>
        %and3A_279 = arith.andi %get3A_276, %and3A : vector<16xi32>
        %bitcast_convert_type3A_280 = tpu.bitcast %and3A_279 : vector<16xi32> -> vector<16xf32>
        %get3A_281 = arith.index_cast %scan3A_272 : i32 to index
        %get3A_282 = arith.constant 0 : index
        %get3A_283 = tpu.vector_load %arg10[%get3A_281, %get3A_282] {strides = array<i32>} : memref<128x128xf32, #tpu.memory_space<vmem>>, vector<1x16xf32>,
        %get3A_284 = vector.shape_cast %get3A_283 : vector<1x16xf32> to vector<16xf32>
        %mul3A_285 = arith.mulf %bitcast_convert_type3A, %get3A_284 : vector<16xf32>
        %swap3A = arith.index_cast %scan3A_272 : i32 to index
        %swap3A_286 = arith.constant 0 : index
        %swap3A_287 = tpu.vector_load %arg10[%swap3A, %swap3A_286] {strides = array<i32>} : memref<128x128xf32, #tpu.memory_space<vmem>>, vector<1x16xf32>,
        %swap3A_288 = vector.shape_cast %swap3A_287 : vector<1x16xf32> to vector<16xf32>
        %swap3A_289 = vector.shape_cast %mul3A_285 : vector<16xf32> to vector<1x16xf32>
        tpu.vector_store %arg10[%swap3A, %swap3A_286], %swap3A_289 {strides = array<i32>} : memref<128x128xf32, #tpu.memory_space<vmem>>, vector<1x16xf32>,
        %get3A_290 = arith.index_cast %scan3A_272 : i32 to index
        %get3A_291 = arith.constant 64 : index
        %get3A_292 = tpu.vector_load %arg10[%get3A_290, %get3A_291] {strides = array<i32>} : memref<128x128xf32, #tpu.memory_space<vmem>>, vector<1x16xf32>,
        %get3A_293 = vector.shape_cast %get3A_292 : vector<1x16xf32> to vector<16xf32>
        %mul3A_294 = arith.mulf %bitcast_convert_type3A_280, %get3A_293 : vector<16xf32>
        %swap3A_295 = arith.index_cast %scan3A_272 : i32 to index
        %swap3A_296 = arith.constant 64 : index
        %swap3A_297 = tpu.vector_load %arg10[%swap3A_295, %swap3A_296] {strides = array<i32>} : memref<128x128xf32, #tpu.memory_space<vmem>>, vector<1x16xf32>,
        %swap3A_298 = vector.shape_cast %swap3A_297 : vector<1x16xf32> to vector<16xf32>
        %swap3A_299 = vector.shape_cast %mul3A_294 : vector<16xf32> to vector<1x16xf32>
        tpu.vector_store %arg10[%swap3A_295, %swap3A_296], %swap3A_299 {strides = array<i32>} : memref<128x128xf32, #tpu.memory_space<vmem>>, vector<1x16xf32>,
        %get3A_300 = arith.index_cast %scan3A_272 : i32 to index
        %get3A_301 = arith.constant 16 : index
        %get3A_302 = tpu.vector_load %arg12[%get3A_300, %get3A_301] {strides = array<i32>} : memref<128x64xi32, #tpu.memory_space<vmem>>, vector<1x16xi32>,
        %get3A_303 = vector.shape_cast %get3A_302 : vector<1x16xi32> to vector<16xi32>
        %shift_left3A_304 = arith.constant 16 : i32
        %shift_left3A_305 = vector.broadcast %shift_left3A_304 : i32 to vector<16xi32>
        %shift_left3A_306 = arith.shli %get3A_303, %shift_left3A_305 : vector<16xi32>
        %bitcast_convert_type3A_307 = tpu.bitcast %shift_left3A_306 : vector<16xi32> -> vector<16xf32>
        %and3A_308 = vector.broadcast %scan3A_135 : i32 to vector<16xi32>
        %and3A_309 = arith.andi %get3A_303, %and3A_308 : vector<16xi32>
        %bitcast_convert_type3A_310 = tpu.bitcast %and3A_309 : vector<16xi32> -> vector<16xf32>
        %get3A_311 = arith.index_cast %scan3A_272 : i32 to index
        %get3A_312 = arith.constant 16 : index
        %get3A_313 = tpu.vector_load %arg10[%get3A_311, %get3A_312] {strides = array<i32>} : memref<128x128xf32, #tpu.memory_space<vmem>>, vector<1x16xf32>,
        %get3A_314 = vector.shape_cast %get3A_313 : vector<1x16xf32> to vector<16xf32>
        %mul3A_315 = arith.mulf %bitcast_convert_type3A_307, %get3A_314 : vector<16xf32>
        %swap3A_316 = arith.index_cast %scan3A_272 : i32 to index
        %swap3A_317 = arith.constant 16 : index
        %swap3A_318 = tpu.vector_load %arg10[%swap3A_316, %swap3A_317] {strides = array<i32>} : memref<128x128xf32, #tpu.memory_space<vmem>>, vector<1x16xf32>,
        %swap3A_319 = vector.shape_cast %swap3A_318 : vector<1x16xf32> to vector<16xf32>
        %swap3A_320 = vector.shape_cast %mul3A_315 : vector<16xf32> to vector<1x16xf32>
        tpu.vector_store %arg10[%swap3A_316, %swap3A_317], %swap3A_320 {strides = array<i32>} : memref<128x128xf32, #tpu.memory_space<vmem>>, vector<1x16xf32>,
        %get3A_321 = arith.index_cast %scan3A_272 : i32 to index
        %get3A_322 = arith.constant 80 : index
        %get3A_323 = tpu.vector_load %arg10[%get3A_321, %get3A_322] {strides = array<i32>} : memref<128x128xf32, #tpu.memory_space<vmem>>, vector<1x16xf32>,
        %get3A_324 = vector.shape_cast %get3A_323 : vector<1x16xf32> to vector<16xf32>
        %mul3A_325 = arith.mulf %bitcast_convert_type3A_310, %get3A_324 : vector<16xf32>
        %swap3A_326 = arith.index_cast %scan3A_272 : i32 to index
        %swap3A_327 = arith.constant 80 : index
        %swap3A_328 = tpu.vector_load %arg10[%swap3A_326, %swap3A_327] {strides = array<i32>} : memref<128x128xf32, #tpu.memory_space<vmem>>, vector<1x16xf32>,
        %swap3A_329 = vector.shape_cast %swap3A_328 : vector<1x16xf32> to vector<16xf32>
        %swap3A_330 = vector.shape_cast %mul3A_325 : vector<16xf32> to vector<1x16xf32>
        tpu.vector_store %arg10[%swap3A_326, %swap3A_327], %swap3A_330 {strides = array<i32>} : memref<128x128xf32, #tpu.memory_space<vmem>>, vector<1x16xf32>,
        %get3A_331 = arith.index_cast %scan3A_272 : i32 to index
        %get3A_332 = arith.constant 32 : index
        %get3A_333 = tpu.vector_load %arg12[%get3A_331, %get3A_332] {strides = array<i32>} : memref<128x64xi32, #tpu.memory_space<vmem>>, vector<1x16xi32>,
        %get3A_334 = vector.shape_cast %get3A_333 : vector<1x16xi32> to vector<16xi32>
        %shift_left3A_335 = arith.constant 16 : i32
        %shift_left3A_336 = vector.broadcast %shift_left3A_335 : i32 to vector<16xi32>
        %shift_left3A_337 = arith.shli %get3A_334, %shift_left3A_336 : vector<16xi32>
        %bitcast_convert_type3A_338 = tpu.bitcast %shift_left3A_337 : vector<16xi32> -> vector<16xf32>
        %and3A_339 = vector.broadcast %scan3A_135 : i32 to vector<16xi32>
        %and3A_340 = arith.andi %get3A_334, %and3A_339 : vector<16xi32>
        %bitcast_convert_type3A_341 = tpu.bitcast %and3A_340 : vector<16xi32> -> vector<16xf32>
        %get3A_342 = arith.index_cast %scan3A_272 : i32 to index
        %get3A_343 = arith.constant 32 : index
        %get3A_344 = tpu.vector_load %arg10[%get3A_342, %get3A_343] {strides = array<i32>} : memref<128x128xf32, #tpu.memory_space<vmem>>, vector<1x16xf32>,
        %get3A_345 = vector.shape_cast %get3A_344 : vector<1x16xf32> to vector<16xf32>
        %mul3A_346 = arith.mulf %bitcast_convert_type3A_338, %get3A_345 : vector<16xf32>
        %swap3A_347 = arith.index_cast %scan3A_272 : i32 to index
        %swap3A_348 = arith.constant 32 : index
        %swap3A_349 = tpu.vector_load %arg10[%swap3A_347, %swap3A_348] {strides = array<i32>} : memref<128x128xf32, #tpu.memory_space<vmem>>, vector<1x16xf32>,
        %swap3A_350 = vector.shape_cast %swap3A_349 : vector<1x16xf32> to vector<16xf32>
        %swap3A_351 = vector.shape_cast %mul3A_346 : vector<16xf32> to vector<1x16xf32>
        tpu.vector_store %arg10[%swap3A_347, %swap3A_348], %swap3A_351 {strides = array<i32>} : memref<128x128xf32, #tpu.memory_space<vmem>>, vector<1x16xf32>,
        %get3A_352 = arith.index_cast %scan3A_272 : i32 to index
        %get3A_353 = arith.constant 96 : index
        %get3A_354 = tpu.vector_load %arg10[%get3A_352, %get3A_353] {strides = array<i32>} : memref<128x128xf32, #tpu.memory_space<vmem>>, vector<1x16xf32>,
        %get3A_355 = vector.shape_cast %get3A_354 : vector<1x16xf32> to vector<16xf32>
        %mul3A_356 = arith.mulf %bitcast_convert_type3A_341, %get3A_355 : vector<16xf32>
        %swap3A_357 = arith.index_cast %scan3A_272 : i32 to index
        %swap3A_358 = arith.constant 96 : index
        %swap3A_359 = tpu.vector_load %arg10[%swap3A_357, %swap3A_358] {strides = array<i32>} : memref<128x128xf32, #tpu.memory_space<vmem>>, vector<1x16xf32>,
        %swap3A_360 = vector.shape_cast %swap3A_359 : vector<1x16xf32> to vector<16xf32>
        %swap3A_361 = vector.shape_cast %mul3A_356 : vector<16xf32> to vector<1x16xf32>
        tpu.vector_store %arg10[%swap3A_357, %swap3A_358], %swap3A_361 {strides = array<i32>} : memref<128x128xf32, #tpu.memory_space<vmem>>, vector<1x16xf32>,
        %get3A_362 = arith.index_cast %scan3A_272 : i32 to index
        %get3A_363 = arith.constant 48 : index
        %get3A_364 = tpu.vector_load %arg12[%get3A_362, %get3A_363] {strides = array<i32>} : memref<128x64xi32, #tpu.memory_space<vmem>>, vector<1x16xi32>,
        %get3A_365 = vector.shape_cast %get3A_364 : vector<1x16xi32> to vector<16xi32>
        %shift_left3A_366 = arith.constant 16 : i32
        %shift_left3A_367 = vector.broadcast %shift_left3A_366 : i32 to vector<16xi32>
        %shift_left3A_368 = arith.shli %get3A_365, %shift_left3A_367 : vector<16xi32>
        %bitcast_convert_type3A_369 = tpu.bitcast %shift_left3A_368 : vector<16xi32> -> vector<16xf32>
        %and3A_370 = vector.broadcast %scan3A_135 : i32 to vector<16xi32>
        %and3A_371 = arith.andi %get3A_365, %and3A_370 : vector<16xi32>
        %bitcast_convert_type3A_372 = tpu.bitcast %and3A_371 : vector<16xi32> -> vector<16xf32>
        %get3A_373 = arith.index_cast %scan3A_272 : i32 to index
        %get3A_374 = arith.constant 48 : index
        %get3A_375 = tpu.vector_load %arg10[%get3A_373, %get3A_374] {strides = array<i32>} : memref<128x128xf32, #tpu.memory_space<vmem>>, vector<1x16xf32>,
        %get3A_376 = vector.shape_cast %get3A_375 : vector<1x16xf32> to vector<16xf32>
        %mul3A_377 = arith.mulf %bitcast_convert_type3A_369, %get3A_376 : vector<16xf32>
        %swap3A_378 = arith.index_cast %scan3A_272 : i32 to index
        %swap3A_379 = arith.constant 48 : index
        %swap3A_380 = tpu.vector_load %arg10[%swap3A_378, %swap3A_379] {strides = array<i32>} : memref<128x128xf32, #tpu.memory_space<vmem>>, vector<1x16xf32>,
        %swap3A_381 = vector.shape_cast %swap3A_380 : vector<1x16xf32> to vector<16xf32>
        %swap3A_382 = vector.shape_cast %mul3A_377 : vector<16xf32> to vector<1x16xf32>
        tpu.vector_store %arg10[%swap3A_378, %swap3A_379], %swap3A_382 {strides = array<i32>} : memref<128x128xf32, #tpu.memory_space<vmem>>, vector<1x16xf32>,
        %get3A_383 = arith.index_cast %scan3A_272 : i32 to index
        %get3A_384 = arith.constant 112 : index
        %get3A_385 = tpu.vector_load %arg10[%get3A_383, %get3A_384] {strides = array<i32>} : memref<128x128xf32, #tpu.memory_space<vmem>>, vector<1x16xf32>,
        %get3A_386 = vector.shape_cast %get3A_385 : vector<1x16xf32> to vector<16xf32>
        %mul3A_387 = arith.mulf %bitcast_convert_type3A_372, %get3A_386 : vector<16xf32>
        %swap3A_388 = arith.index_cast %scan3A_272 : i32 to index
        %swap3A_389 = arith.constant 112 : index
        %swap3A_390 = tpu.vector_load %arg10[%swap3A_388, %swap3A_389] {strides = array<i32>} : memref<128x128xf32, #tpu.memory_space<vmem>>, vector<1x16xf32>,
        %swap3A_391 = vector.shape_cast %swap3A_390 : vector<1x16xf32> to vector<16xf32>
        %swap3A_392 = vector.shape_cast %mul3A_387 : vector<16xf32> to vector<1x16xf32>
        tpu.vector_store %arg10[%swap3A_388, %swap3A_389], %swap3A_392 {strides = array<i32>} : memref<128x128xf32, #tpu.memory_space<vmem>>, vector<1x16xf32>,
        %scan3A_393 = arith.constant 0 : i32
        scf.yield %scan3A_393 : i32
      }
      %scan3A_142 = arith.constant 128 : i32
      %add3A_143 = arith.addi %mul3A_2, %add3A_113 : i32
      %mul3A_144 = arith.constant 128 : i32
      %mul3A_145 = arith.muli %add3A_143, %mul3A_144 : i32
      %dma_wait3A_146 = arith.constant 0 : i32
      %dma_wait3A_147 = arith.constant 0 : i32
      %dma_wait3A_148 = arith.constant 0 : i32
      %dma_wait3A_149 = tpu.memref_slice %arg6[%dma_wait3A_147, %dma_wait3A_148] : memref<1x128xi32, #tpu.memory_space<vmem>> -> memref<1x128xi32, #tpu.memory_space<vmem>>
      %dma_wait3A_150 = tpu.memref_squeeze %dma_wait3A_149 : memref<1x128xi32, #tpu.memory_space<vmem>> -> memref<128xi32, #tpu.memory_space<vmem>>
      %dma_wait3A_151 = tpu.memref_slice %arg4[%dma_wait3A_146, %mul3A_145] : memref<2x320000xi32, #tpu.memory_space<hbm>> -> memref<1x128xi32, #tpu.memory_space<hbm>>
      %dma_wait3A_152 = tpu.memref_squeeze %dma_wait3A_151 : memref<1x128xi32, #tpu.memory_space<hbm>> -> memref<128xi32, #tpu.memory_space<hbm>>
      %dma_wait3A_153 = arith.constant 0 : i32
      %dma_wait3A_154 = tpu.memref_slice %arg6[%dma_wait3A_147, %dma_wait3A_153] : memref<1x128xi32, #tpu.memory_space<vmem>> -> memref<1x128xi32, #tpu.memory_space<vmem>>
      %dma_wait3A_155 = tpu.memref_squeeze %dma_wait3A_154 : memref<1x128xi32, #tpu.memory_space<vmem>> -> memref<128xi32, #tpu.memory_space<vmem>>
      %dma_wait3A_156 = tpu.memref_slice %arg4[%dma_wait3A_146, %mul3A_145] : memref<2x320000xi32, #tpu.memory_space<hbm>> -> memref<1x128xi32, #tpu.memory_space<hbm>>
      %dma_wait3A_157 = tpu.memref_squeeze %dma_wait3A_156 : memref<1x128xi32, #tpu.memory_space<hbm>> -> memref<128xi32, #tpu.memory_space<hbm>>
      tpu.wait_dma2 semaphore(%arg21 : memref<!tpu.dma_semaphore, #tpu.memory_space<semaphore_mem>>) src(%dma_wait3A_157 : memref<128xi32, #tpu.memory_space<hbm>>) dst(%dma_wait3A_155 : memref<128xi32, #tpu.memory_space<vmem>>)
      %dma_start3A_158 = arith.constant 0 : i32
      %dma_start3A_159 = arith.constant 0 : i32
      %dma_start3A_160 = tpu.memref_slice %arg6[%dma_start3A_158, %dma_start3A_159] : memref<1x128xi32, #tpu.memory_space<vmem>> -> memref<1x128xi32, #tpu.memory_space<vmem>>
      %dma_start3A_161 = tpu.memref_squeeze %dma_start3A_160 : memref<1x128xi32, #tpu.memory_space<vmem>> -> memref<128xi32, #tpu.memory_space<vmem>>
      %dma_start3A_162 = arith.constant 0 : i32
      %dma_start3A_163 = arith.constant 0 : i32
      %dma_start3A_164 = tpu.memref_slice %arg13[%dma_start3A_162, %dma_start3A_163] : memref<10000x128xf32, #tpu.memory_space<vmem_shared>> -> memref<10000x128xf32, #tpu.memory_space<vmem_shared>>
      tpu.enqueue_indirect_dma source(%arg10 : memref<128x128xf32, #tpu.memory_space<vmem>>) target(%dma_start3A_164 : memref<10000x128xf32, #tpu.memory_space<vmem_shared>>) offsets(%dma_start3A_161 : memref<128xi32, #tpu.memory_space<vmem>>) semaphore(%arg17 : memref<!tpu.dma_semaphore, #tpu.memory_space<semaphore_mem>>) {add = true}
      %add3A_165 = arith.constant 1 : i32
      %add3A_166 = arith.addi %add3A_113, %add3A_165 : i32
      %lt3A_167 = arith.constant 78 : i32
      %lt3A_168 = arith.cmpi slt, %add3A_166, %lt3A_167 : i32
      %convert_element_type3A_169 = arith.extui %lt3A_168 : i1 to i32
      %cond3A_170 = arith.constant 0 : i32
      %cond3A_171 = arith.cmpi ne, %convert_element_type3A_169, %cond3A_170 : i32
      scf.if %cond3A_171 {
        %add3A_272 = arith.constant 1 : i32
        %add3A_273 = arith.addi %add3A_113, %add3A_272 : i32
        %add3A_274 = arith.addi %mul3A_2, %add3A_273 : i32
        %mul3A_275 = arith.constant 128 : i32
        %mul3A_276 = arith.muli %add3A_274, %mul3A_275 : i32
        %dma_start3A_277 = arith.constant 0 : i32
        %dma_start3A_278 = tpu.memref_slice %arg2[%mul3A_276, %dma_start3A_277] : memref<320000x64xi32, #tpu.memory_space<hbm>> -> memref<128x64xi32, #tpu.memory_space<hbm>>
        %dma_start3A_279 = arith.constant 0 : i32
        %dma_start3A_280 = tpu.memref_slice %arg2[%mul3A_276, %dma_start3A_279] : memref<320000x64xi32, #tpu.memory_space<hbm>> -> memref<128x64xi32, #tpu.memory_space<hbm>>
        tpu.enqueue_dma source(%dma_start3A_280 : memref<128x64xi32, #tpu.memory_space<hbm>>) target(%arg12 : memref<128x64xi32, #tpu.memory_space<vmem>>) target_semaphore(%arg16 : memref<!tpu.dma_semaphore, #tpu.memory_space<semaphore_mem>>)
      } else {
      }
      %ge3A = arith.constant 1 : i32
      %ge3A_172 = arith.cmpi sge, %add3A_113, %ge3A : i32
      %convert_element_type3A_173 = arith.extui %ge3A_172 : i1 to i32
      %cond3A_174 = arith.constant 0 : i32
      %cond3A_175 = arith.cmpi ne, %convert_element_type3A_173, %cond3A_174 : i32
      scf.if %cond3A_175 {
        %dma_wait3A_272 = arith.constant 0 : i32
        %dma_wait3A_273 = arith.constant 0 : i32
        %dma_wait3A_274 = tpu.memref_slice %arg7[%dma_wait3A_272, %dma_wait3A_273] : memref<1x128xi32, #tpu.memory_space<vmem>> -> memref<1x128xi32, #tpu.memory_space<vmem>>
        %dma_wait3A_275 = tpu.memref_squeeze %dma_wait3A_274 : memref<1x128xi32, #tpu.memory_space<vmem>> -> memref<128xi32, #tpu.memory_space<vmem>>
        %dma_wait3A_276 = arith.constant 0 : i32
        %dma_wait3A_277 = arith.constant 0 : i32
        %dma_wait3A_278 = tpu.memref_slice %arg13[%dma_wait3A_276, %dma_wait3A_277] : memref<10000x128xf32, #tpu.memory_space<vmem_shared>> -> memref<10000x128xf32, #tpu.memory_space<vmem_shared>>
        tpu.wait_indirect_dma semaphore(%arg18 : memref<!tpu.dma_semaphore, #tpu.memory_space<semaphore_mem>>) src(%arg11 : memref<128x128xf32, #tpu.memory_space<vmem>>) dst(%dma_wait3A_278 : memref<10000x128xf32, #tpu.memory_space<vmem_shared>>)
      } else {
      }
      %add3A_176 = arith.constant 1 : i32
      %add3A_177 = arith.addi %add3A_113, %add3A_176 : i32
      %lt3A_178 = arith.constant 78 : i32
      %lt3A_179 = arith.cmpi slt, %add3A_177, %lt3A_178 : i32
      %convert_element_type3A_180 = arith.extui %lt3A_179 : i1 to i32
      %cond3A_181 = arith.constant 0 : i32
      %cond3A_182 = arith.cmpi ne, %convert_element_type3A_180, %cond3A_181 : i32
      scf.if %cond3A_182 {
        %add3A_272 = arith.constant 1 : i32
        %add3A_273 = arith.addi %add3A_113, %add3A_272 : i32
        %add3A_274 = arith.addi %mul3A_2, %add3A_273 : i32
        %mul3A_275 = arith.constant 128 : i32
        %mul3A_276 = arith.muli %add3A_274, %mul3A_275 : i32
        %dma_start3A_277 = arith.constant 0 : i32
        %dma_start3A_278 = arith.constant 0 : i32
        %dma_start3A_279 = arith.constant 0 : i32
        %dma_start3A_280 = tpu.memref_slice %arg7[%dma_start3A_278, %dma_start3A_279] : memref<1x128xi32, #tpu.memory_space<vmem>> -> memref<1x128xi32, #tpu.memory_space<vmem>>
        %dma_start3A_281 = tpu.memref_squeeze %dma_start3A_280 : memref<1x128xi32, #tpu.memory_space<vmem>> -> memref<128xi32, #tpu.memory_space<vmem>>
        %dma_start3A_282 = tpu.memref_slice %arg4[%dma_start3A_277, %mul3A_276] : memref<2x320000xi32, #tpu.memory_space<hbm>> -> memref<1x128xi32, #tpu.memory_space<hbm>>
        %dma_start3A_283 = tpu.memref_squeeze %dma_start3A_282 : memref<1x128xi32, #tpu.memory_space<hbm>> -> memref<128xi32, #tpu.memory_space<hbm>>
        %dma_start3A_284 = arith.constant 0 : i32
        %dma_start3A_285 = tpu.memref_slice %arg7[%dma_start3A_278, %dma_start3A_284] : memref<1x128xi32, #tpu.memory_space<vmem>> -> memref<1x128xi32, #tpu.memory_space<vmem>>
        %dma_start3A_286 = tpu.memref_squeeze %dma_start3A_285 : memref<1x128xi32, #tpu.memory_space<vmem>> -> memref<128xi32, #tpu.memory_space<vmem>>
        %dma_start3A_287 = tpu.memref_slice %arg4[%dma_start3A_277, %mul3A_276] : memref<2x320000xi32, #tpu.memory_space<hbm>> -> memref<1x128xi32, #tpu.memory_space<hbm>>
        %dma_start3A_288 = tpu.memref_squeeze %dma_start3A_287 : memref<1x128xi32, #tpu.memory_space<hbm>> -> memref<128xi32, #tpu.memory_space<hbm>>
        tpu.enqueue_dma source(%dma_start3A_288 : memref<128xi32, #tpu.memory_space<hbm>>) target(%dma_start3A_286 : memref<128xi32, #tpu.memory_space<vmem>>) target_semaphore(%arg22 : memref<!tpu.dma_semaphore, #tpu.memory_space<semaphore_mem>>)
      } else {
      }
      %add3A_183 = arith.constant 1 : i32
      %add3A_184 = arith.addi %add3A_113, %add3A_183 : i32
      %lt3A_185 = arith.constant 78 : i32
      %lt3A_186 = arith.cmpi slt, %add3A_184, %lt3A_185 : i32
      %convert_element_type3A_187 = arith.extui %lt3A_186 : i1 to i32
      %cond3A_188 = arith.constant 0 : i32
      %cond3A_189 = arith.cmpi ne, %convert_element_type3A_187, %cond3A_188 : i32
      scf.if %cond3A_189 {
        %add3A_272 = arith.constant 1 : i32
        %add3A_273 = arith.addi %add3A_113, %add3A_272 : i32
        %add3A_274 = arith.addi %mul3A_2, %add3A_273 : i32
        %mul3A_275 = arith.constant 128 : i32
        %mul3A_276 = arith.muli %add3A_274, %mul3A_275 : i32
        %dma_wait3A_277 = arith.constant 1 : i32
        %dma_wait3A_278 = arith.constant 0 : i32
        %dma_wait3A_279 = arith.constant 0 : i32
        %dma_wait3A_280 = tpu.memref_slice %arg9[%dma_wait3A_278, %dma_wait3A_279] : memref<1x128xi32, #tpu.memory_space<vmem>> -> memref<1x128xi32, #tpu.memory_space<vmem>>
        %dma_wait3A_281 = tpu.memref_squeeze %dma_wait3A_280 : memref<1x128xi32, #tpu.memory_space<vmem>> -> memref<128xi32, #tpu.memory_space<vmem>>
        %dma_wait3A_282 = tpu.memref_slice %arg4[%dma_wait3A_277, %mul3A_276] : memref<2x320000xi32, #tpu.memory_space<hbm>> -> memref<1x128xi32, #tpu.memory_space<hbm>>
        %dma_wait3A_283 = tpu.memref_squeeze %dma_wait3A_282 : memref<1x128xi32, #tpu.memory_space<hbm>> -> memref<128xi32, #tpu.memory_space<hbm>>
        %dma_wait3A_284 = arith.constant 0 : i32
        %dma_wait3A_285 = tpu.memref_slice %arg9[%dma_wait3A_278, %dma_wait3A_284] : memref<1x128xi32, #tpu.memory_space<vmem>> -> memref<1x128xi32, #tpu.memory_space<vmem>>
        %dma_wait3A_286 = tpu.memref_squeeze %dma_wait3A_285 : memref<1x128xi32, #tpu.memory_space<vmem>> -> memref<128xi32, #tpu.memory_space<vmem>>
        %dma_wait3A_287 = tpu.memref_slice %arg4[%dma_wait3A_277, %mul3A_276] : memref<2x320000xi32, #tpu.memory_space<hbm>> -> memref<1x128xi32, #tpu.memory_space<hbm>>
        %dma_wait3A_288 = tpu.memref_squeeze %dma_wait3A_287 : memref<1x128xi32, #tpu.memory_space<hbm>> -> memref<128xi32, #tpu.memory_space<hbm>>
        tpu.wait_dma2 semaphore(%arg20 : memref<!tpu.dma_semaphore, #tpu.memory_space<semaphore_mem>>) src(%dma_wait3A_288 : memref<128xi32, #tpu.memory_space<hbm>>) dst(%dma_wait3A_286 : memref<128xi32, #tpu.memory_space<vmem>>)
        %add3A_289 = arith.constant 1 : i32
        %add3A_290 = arith.addi %add3A_113, %add3A_289 : i32
        %dma_start3A_291 = arith.constant 0 : i32
        %dma_start3A_292 = arith.constant 0 : i32
        %dma_start3A_293 = tpu.memref_slice %arg9[%dma_start3A_291, %dma_start3A_292] : memref<1x128xi32, #tpu.memory_space<vmem>> -> memref<1x128xi32, #tpu.memory_space<vmem>>
        %dma_start3A_294 = tpu.memref_squeeze %dma_start3A_293 : memref<1x128xi32, #tpu.memory_space<vmem>> -> memref<128xi32, #tpu.memory_space<vmem>>
        %dma_start3A_295 = arith.constant 0 : i32
        %dma_start3A_296 = arith.constant 0 : i32
        %dma_start3A_297 = tpu.memref_slice %arg3[%dma_start3A_295, %dma_start3A_296] : memref<10000x128xf32, #tpu.memory_space<hbm>> -> memref<10000x128xf32, #tpu.memory_space<hbm>>
        tpu.enqueue_indirect_dma source(%dma_start3A_297 : memref<10000x128xf32, #tpu.memory_space<hbm>>) target(%arg11 : memref<128x128xf32, #tpu.memory_space<vmem>>) offsets(%dma_start3A_294 : memref<128xi32, #tpu.memory_space<vmem>>) semaphore(%arg15 : memref<!tpu.dma_semaphore, #tpu.memory_space<semaphore_mem>>)
      } else {
      }
      %mul3A_190 = arith.constant 2 : i32
      %mul3A_191 = arith.muli %mul3A_190, %scan3A_108 : i32
      %add3A_192 = arith.constant 1 : i32
      %add3A_193 = arith.addi %mul3A_191, %add3A_192 : i32
      %dma_wait3A_194 = arith.constant 0 : i32
      %dma_wait3A_195 = arith.constant 0 : i32
      %dma_wait3A_196 = tpu.memref_slice %arg9[%dma_wait3A_194, %dma_wait3A_195] : memref<1x128xi32, #tpu.memory_space<vmem>> -> memref<1x128xi32, #tpu.memory_space<vmem>>
      %dma_wait3A_197 = tpu.memref_squeeze %dma_wait3A_196 : memref<1x128xi32, #tpu.memory_space<vmem>> -> memref<128xi32, #tpu.memory_space<vmem>>
      %dma_wait3A_198 = arith.constant 0 : i32
      %dma_wait3A_199 = arith.constant 0 : i32
      %dma_wait3A_200 = tpu.memref_slice %arg3[%dma_wait3A_198, %dma_wait3A_199] : memref<10000x128xf32, #tpu.memory_space<hbm>> -> memref<10000x128xf32, #tpu.memory_space<hbm>>
      tpu.wait_indirect_dma semaphore(%arg15 : memref<!tpu.dma_semaphore, #tpu.memory_space<semaphore_mem>>) src(%dma_wait3A_200 : memref<10000x128xf32, #tpu.memory_space<hbm>>) dst(%arg11 : memref<128x128xf32, #tpu.memory_space<vmem>>)
      %add3A_201 = arith.constant 1 : i32
      %add3A_202 = arith.addi %add3A_193, %add3A_201 : i32
      %lt3A_203 = arith.constant 78 : i32
      %lt3A_204 = arith.cmpi slt, %add3A_202, %lt3A_203 : i32
      %convert_element_type3A_205 = arith.extui %lt3A_204 : i1 to i32
      %cond3A_206 = arith.constant 0 : i32
      %cond3A_207 = arith.cmpi ne, %convert_element_type3A_205, %cond3A_206 : i32
      scf.if %cond3A_207 {
        %add3A_272 = arith.constant 1 : i32
        %add3A_273 = arith.addi %add3A_193, %add3A_272 : i32
        %add3A_274 = arith.addi %mul3A_2, %add3A_273 : i32
        %mul3A_275 = arith.constant 128 : i32
        %mul3A_276 = arith.muli %add3A_274, %mul3A_275 : i32
        %dma_start3A_277 = arith.constant 1 : i32
        %dma_start3A_278 = arith.constant 0 : i32
        %dma_start3A_279 = arith.constant 0 : i32
        %dma_start3A_280 = tpu.memref_slice %arg8[%dma_start3A_278, %dma_start3A_279] : memref<1x128xi32, #tpu.memory_space<vmem>> -> memref<1x128xi32, #tpu.memory_space<vmem>>
        %dma_start3A_281 = tpu.memref_squeeze %dma_start3A_280 : memref<1x128xi32, #tpu.memory_space<vmem>> -> memref<128xi32, #tpu.memory_space<vmem>>
        %dma_start3A_282 = tpu.memref_slice %arg4[%dma_start3A_277, %mul3A_276] : memref<2x320000xi32, #tpu.memory_space<hbm>> -> memref<1x128xi32, #tpu.memory_space<hbm>>
        %dma_start3A_283 = tpu.memref_squeeze %dma_start3A_282 : memref<1x128xi32, #tpu.memory_space<hbm>> -> memref<128xi32, #tpu.memory_space<hbm>>
        %dma_start3A_284 = arith.constant 0 : i32
        %dma_start3A_285 = tpu.memref_slice %arg8[%dma_start3A_278, %dma_start3A_284] : memref<1x128xi32, #tpu.memory_space<vmem>> -> memref<1x128xi32, #tpu.memory_space<vmem>>
        %dma_start3A_286 = tpu.memref_squeeze %dma_start3A_285 : memref<1x128xi32, #tpu.memory_space<vmem>> -> memref<128xi32, #tpu.memory_space<vmem>>
        %dma_start3A_287 = tpu.memref_slice %arg4[%dma_start3A_277, %mul3A_276] : memref<2x320000xi32, #tpu.memory_space<hbm>> -> memref<1x128xi32, #tpu.memory_space<hbm>>
        %dma_start3A_288 = tpu.memref_squeeze %dma_start3A_287 : memref<1x128xi32, #tpu.memory_space<hbm>> -> memref<128xi32, #tpu.memory_space<hbm>>
        tpu.enqueue_dma source(%dma_start3A_288 : memref<128xi32, #tpu.memory_space<hbm>>) target(%dma_start3A_286 : memref<128xi32, #tpu.memory_space<vmem>>) target_semaphore(%arg19 : memref<!tpu.dma_semaphore, #tpu.memory_space<semaphore_mem>>)
      } else {
      }
      %add3A_208 = arith.addi %mul3A_2, %add3A_193 : i32
      %mul3A_209 = arith.constant 128 : i32
      %mul3A_210 = arith.muli %add3A_208, %mul3A_209 : i32
      %dma_wait3A_211 = arith.constant 0 : i32
      %dma_wait3A_212 = tpu.memref_slice %arg2[%mul3A_210, %dma_wait3A_211] : memref<320000x64xi32, #tpu.memory_space<hbm>> -> memref<128x64xi32, #tpu.memory_space<hbm>>
      %dma_wait3A_213 = arith.constant 0 : i32
      %dma_wait3A_214 = tpu.memref_slice %arg2[%mul3A_210, %dma_wait3A_213] : memref<320000x64xi32, #tpu.memory_space<hbm>> -> memref<128x64xi32, #tpu.memory_space<hbm>>
      tpu.wait_dma2 semaphore(%arg16 : memref<!tpu.dma_semaphore, #tpu.memory_space<semaphore_mem>>) src(%dma_wait3A_214 : memref<128x64xi32, #tpu.memory_space<hbm>>) dst(%arg12 : memref<128x64xi32, #tpu.memory_space<vmem>>)
      %scan3A_215 = arith.constant -65536 : i32
      %scan3A_216 = arith.constant 0 : i32
      %scan3A_217 = arith.constant 0 : i32
      %scan3A_218 = arith.constant 128 : i32
      %scan3A_219 = arith.addi %scan3A_217, %scan3A_218 : i32
      %scan3A_220 = arith.constant 1 : i32
      %scan3A_221 = scf.for %scan3A_272 = %scan3A_217 to %scan3A_219 step %scan3A_220 iter_args(%scan3A_273 = %scan3A_216) -> (i32)  : i32 {
        %get3A = arith.index_cast %scan3A_272 : i32 to index
        %get3A_274 = arith.constant 0 : index
        %get3A_275 = tpu.vector_load %arg12[%get3A, %get3A_274] {strides = array<i32>} : memref<128x64xi32, #tpu.memory_space<vmem>>, vector<1x16xi32>,
        %get3A_276 = vector.shape_cast %get3A_275 : vector<1x16xi32> to vector<16xi32>
        %shift_left3A = arith.constant 16 : i32
        %shift_left3A_277 = vector.broadcast %shift_left3A : i32 to vector<16xi32>
        %shift_left3A_278 = arith.shli %get3A_276, %shift_left3A_277 : vector<16xi32>
        %bitcast_convert_type3A = tpu.bitcast %shift_left3A_278 : vector<16xi32> -> vector<16xf32>
        %and3A = vector.broadcast %scan3A_215 : i32 to vector<16xi32>
        %and3A_279 = arith.andi %get3A_276, %and3A : vector<16xi32>
        %bitcast_convert_type3A_280 = tpu.bitcast %and3A_279 : vector<16xi32> -> vector<16xf32>
        %get3A_281 = arith.index_cast %scan3A_272 : i32 to index
        %get3A_282 = arith.constant 0 : index
        %get3A_283 = tpu.vector_load %arg11[%get3A_281, %get3A_282] {strides = array<i32>} : memref<128x128xf32, #tpu.memory_space<vmem>>, vector<1x16xf32>,
        %get3A_284 = vector.shape_cast %get3A_283 : vector<1x16xf32> to vector<16xf32>
        %mul3A_285 = arith.mulf %bitcast_convert_type3A, %get3A_284 : vector<16xf32>
        %swap3A = arith.index_cast %scan3A_272 : i32 to index
        %swap3A_286 = arith.constant 0 : index
        %swap3A_287 = tpu.vector_load %arg11[%swap3A, %swap3A_286] {strides = array<i32>} : memref<128x128xf32, #tpu.memory_space<vmem>>, vector<1x16xf32>,
        %swap3A_288 = vector.shape_cast %swap3A_287 : vector<1x16xf32> to vector<16xf32>
        %swap3A_289 = vector.shape_cast %mul3A_285 : vector<16xf32> to vector<1x16xf32>
        tpu.vector_store %arg11[%swap3A, %swap3A_286], %swap3A_289 {strides = array<i32>} : memref<128x128xf32, #tpu.memory_space<vmem>>, vector<1x16xf32>,
        %get3A_290 = arith.index_cast %scan3A_272 : i32 to index
        %get3A_291 = arith.constant 64 : index
        %get3A_292 = tpu.vector_load %arg11[%get3A_290, %get3A_291] {strides = array<i32>} : memref<128x128xf32, #tpu.memory_space<vmem>>, vector<1x16xf32>,
        %get3A_293 = vector.shape_cast %get3A_292 : vector<1x16xf32> to vector<16xf32>
        %mul3A_294 = arith.mulf %bitcast_convert_type3A_280, %get3A_293 : vector<16xf32>
        %swap3A_295 = arith.index_cast %scan3A_272 : i32 to index
        %swap3A_296 = arith.constant 64 : index
        %swap3A_297 = tpu.vector_load %arg11[%swap3A_295, %swap3A_296] {strides = array<i32>} : memref<128x128xf32, #tpu.memory_space<vmem>>, vector<1x16xf32>,
        %swap3A_298 = vector.shape_cast %swap3A_297 : vector<1x16xf32> to vector<16xf32>
        %swap3A_299 = vector.shape_cast %mul3A_294 : vector<16xf32> to vector<1x16xf32>
        tpu.vector_store %arg11[%swap3A_295, %swap3A_296], %swap3A_299 {strides = array<i32>} : memref<128x128xf32, #tpu.memory_space<vmem>>, vector<1x16xf32>,
        %get3A_300 = arith.index_cast %scan3A_272 : i32 to index
        %get3A_301 = arith.constant 16 : index
        %get3A_302 = tpu.vector_load %arg12[%get3A_300, %get3A_301] {strides = array<i32>} : memref<128x64xi32, #tpu.memory_space<vmem>>, vector<1x16xi32>,
        %get3A_303 = vector.shape_cast %get3A_302 : vector<1x16xi32> to vector<16xi32>
        %shift_left3A_304 = arith.constant 16 : i32
        %shift_left3A_305 = vector.broadcast %shift_left3A_304 : i32 to vector<16xi32>
        %shift_left3A_306 = arith.shli %get3A_303, %shift_left3A_305 : vector<16xi32>
        %bitcast_convert_type3A_307 = tpu.bitcast %shift_left3A_306 : vector<16xi32> -> vector<16xf32>
        %and3A_308 = vector.broadcast %scan3A_215 : i32 to vector<16xi32>
        %and3A_309 = arith.andi %get3A_303, %and3A_308 : vector<16xi32>
        %bitcast_convert_type3A_310 = tpu.bitcast %and3A_309 : vector<16xi32> -> vector<16xf32>
        %get3A_311 = arith.index_cast %scan3A_272 : i32 to index
        %get3A_312 = arith.constant 16 : index
        %get3A_313 = tpu.vector_load %arg11[%get3A_311, %get3A_312] {strides = array<i32>} : memref<128x128xf32, #tpu.memory_space<vmem>>, vector<1x16xf32>,
        %get3A_314 = vector.shape_cast %get3A_313 : vector<1x16xf32> to vector<16xf32>
        %mul3A_315 = arith.mulf %bitcast_convert_type3A_307, %get3A_314 : vector<16xf32>
        %swap3A_316 = arith.index_cast %scan3A_272 : i32 to index
        %swap3A_317 = arith.constant 16 : index
        %swap3A_318 = tpu.vector_load %arg11[%swap3A_316, %swap3A_317] {strides = array<i32>} : memref<128x128xf32, #tpu.memory_space<vmem>>, vector<1x16xf32>,
        %swap3A_319 = vector.shape_cast %swap3A_318 : vector<1x16xf32> to vector<16xf32>
        %swap3A_320 = vector.shape_cast %mul3A_315 : vector<16xf32> to vector<1x16xf32>
        tpu.vector_store %arg11[%swap3A_316, %swap3A_317], %swap3A_320 {strides = array<i32>} : memref<128x128xf32, #tpu.memory_space<vmem>>, vector<1x16xf32>,
        %get3A_321 = arith.index_cast %scan3A_272 : i32 to index
        %get3A_322 = arith.constant 80 : index
        %get3A_323 = tpu.vector_load %arg11[%get3A_321, %get3A_322] {strides = array<i32>} : memref<128x128xf32, #tpu.memory_space<vmem>>, vector<1x16xf32>,
        %get3A_324 = vector.shape_cast %get3A_323 : vector<1x16xf32> to vector<16xf32>
        %mul3A_325 = arith.mulf %bitcast_convert_type3A_310, %get3A_324 : vector<16xf32>
        %swap3A_326 = arith.index_cast %scan3A_272 : i32 to index
        %swap3A_327 = arith.constant 80 : index
        %swap3A_328 = tpu.vector_load %arg11[%swap3A_326, %swap3A_327] {strides = array<i32>} : memref<128x128xf32, #tpu.memory_space<vmem>>, vector<1x16xf32>,
        %swap3A_329 = vector.shape_cast %swap3A_328 : vector<1x16xf32> to vector<16xf32>
        %swap3A_330 = vector.shape_cast %mul3A_325 : vector<16xf32> to vector<1x16xf32>
        tpu.vector_store %arg11[%swap3A_326, %swap3A_327], %swap3A_330 {strides = array<i32>} : memref<128x128xf32, #tpu.memory_space<vmem>>, vector<1x16xf32>,
        %get3A_331 = arith.index_cast %scan3A_272 : i32 to index
        %get3A_332 = arith.constant 32 : index
        %get3A_333 = tpu.vector_load %arg12[%get3A_331, %get3A_332] {strides = array<i32>} : memref<128x64xi32, #tpu.memory_space<vmem>>, vector<1x16xi32>,
        %get3A_334 = vector.shape_cast %get3A_333 : vector<1x16xi32> to vector<16xi32>
        %shift_left3A_335 = arith.constant 16 : i32
        %shift_left3A_336 = vector.broadcast %shift_left3A_335 : i32 to vector<16xi32>
        %shift_left3A_337 = arith.shli %get3A_334, %shift_left3A_336 : vector<16xi32>
        %bitcast_convert_type3A_338 = tpu.bitcast %shift_left3A_337 : vector<16xi32> -> vector<16xf32>
        %and3A_339 = vector.broadcast %scan3A_215 : i32 to vector<16xi32>
        %and3A_340 = arith.andi %get3A_334, %and3A_339 : vector<16xi32>
        %bitcast_convert_type3A_341 = tpu.bitcast %and3A_340 : vector<16xi32> -> vector<16xf32>
        %get3A_342 = arith.index_cast %scan3A_272 : i32 to index
        %get3A_343 = arith.constant 32 : index
        %get3A_344 = tpu.vector_load %arg11[%get3A_342, %get3A_343] {strides = array<i32>} : memref<128x128xf32, #tpu.memory_space<vmem>>, vector<1x16xf32>,
        %get3A_345 = vector.shape_cast %get3A_344 : vector<1x16xf32> to vector<16xf32>
        %mul3A_346 = arith.mulf %bitcast_convert_type3A_338, %get3A_345 : vector<16xf32>
        %swap3A_347 = arith.index_cast %scan3A_272 : i32 to index
        %swap3A_348 = arith.constant 32 : index
        %swap3A_349 = tpu.vector_load %arg11[%swap3A_347, %swap3A_348] {strides = array<i32>} : memref<128x128xf32, #tpu.memory_space<vmem>>, vector<1x16xf32>,
        %swap3A_350 = vector.shape_cast %swap3A_349 : vector<1x16xf32> to vector<16xf32>
        %swap3A_351 = vector.shape_cast %mul3A_346 : vector<16xf32> to vector<1x16xf32>
        tpu.vector_store %arg11[%swap3A_347, %swap3A_348], %swap3A_351 {strides = array<i32>} : memref<128x128xf32, #tpu.memory_space<vmem>>, vector<1x16xf32>,
        %get3A_352 = arith.index_cast %scan3A_272 : i32 to index
        %get3A_353 = arith.constant 96 : index
        %get3A_354 = tpu.vector_load %arg11[%get3A_352, %get3A_353] {strides = array<i32>} : memref<128x128xf32, #tpu.memory_space<vmem>>, vector<1x16xf32>,
        %get3A_355 = vector.shape_cast %get3A_354 : vector<1x16xf32> to vector<16xf32>
        %mul3A_356 = arith.mulf %bitcast_convert_type3A_341, %get3A_355 : vector<16xf32>
        %swap3A_357 = arith.index_cast %scan3A_272 : i32 to index
        %swap3A_358 = arith.constant 96 : index
        %swap3A_359 = tpu.vector_load %arg11[%swap3A_357, %swap3A_358] {strides = array<i32>} : memref<128x128xf32, #tpu.memory_space<vmem>>, vector<1x16xf32>,
        %swap3A_360 = vector.shape_cast %swap3A_359 : vector<1x16xf32> to vector<16xf32>
        %swap3A_361 = vector.shape_cast %mul3A_356 : vector<16xf32> to vector<1x16xf32>
        tpu.vector_store %arg11[%swap3A_357, %swap3A_358], %swap3A_361 {strides = array<i32>} : memref<128x128xf32, #tpu.memory_space<vmem>>, vector<1x16xf32>,
        %get3A_362 = arith.index_cast %scan3A_272 : i32 to index
        %get3A_363 = arith.constant 48 : index
        %get3A_364 = tpu.vector_load %arg12[%get3A_362, %get3A_363] {strides = array<i32>} : memref<128x64xi32, #tpu.memory_space<vmem>>, vector<1x16xi32>,
        %get3A_365 = vector.shape_cast %get3A_364 : vector<1x16xi32> to vector<16xi32>
        %shift_left3A_366 = arith.constant 16 : i32
        %shift_left3A_367 = vector.broadcast %shift_left3A_366 : i32 to vector<16xi32>
        %shift_left3A_368 = arith.shli %get3A_365, %shift_left3A_367 : vector<16xi32>
        %bitcast_convert_type3A_369 = tpu.bitcast %shift_left3A_368 : vector<16xi32> -> vector<16xf32>
        %and3A_370 = vector.broadcast %scan3A_215 : i32 to vector<16xi32>
        %and3A_371 = arith.andi %get3A_365, %and3A_370 : vector<16xi32>
        %bitcast_convert_type3A_372 = tpu.bitcast %and3A_371 : vector<16xi32> -> vector<16xf32>
        %get3A_373 = arith.index_cast %scan3A_272 : i32 to index
        %get3A_374 = arith.constant 48 : index
        %get3A_375 = tpu.vector_load %arg11[%get3A_373, %get3A_374] {strides = array<i32>} : memref<128x128xf32, #tpu.memory_space<vmem>>, vector<1x16xf32>,
        %get3A_376 = vector.shape_cast %get3A_375 : vector<1x16xf32> to vector<16xf32>
        %mul3A_377 = arith.mulf %bitcast_convert_type3A_369, %get3A_376 : vector<16xf32>
        %swap3A_378 = arith.index_cast %scan3A_272 : i32 to index
        %swap3A_379 = arith.constant 48 : index
        %swap3A_380 = tpu.vector_load %arg11[%swap3A_378, %swap3A_379] {strides = array<i32>} : memref<128x128xf32, #tpu.memory_space<vmem>>, vector<1x16xf32>,
        %swap3A_381 = vector.shape_cast %swap3A_380 : vector<1x16xf32> to vector<16xf32>
        %swap3A_382 = vector.shape_cast %mul3A_377 : vector<16xf32> to vector<1x16xf32>
        tpu.vector_store %arg11[%swap3A_378, %swap3A_379], %swap3A_382 {strides = array<i32>} : memref<128x128xf32, #tpu.memory_space<vmem>>, vector<1x16xf32>,
        %get3A_383 = arith.index_cast %scan3A_272 : i32 to index
        %get3A_384 = arith.constant 112 : index
        %get3A_385 = tpu.vector_load %arg11[%get3A_383, %get3A_384] {strides = array<i32>} : memref<128x128xf32, #tpu.memory_space<vmem>>, vector<1x16xf32>,
        %get3A_386 = vector.shape_cast %get3A_385 : vector<1x16xf32> to vector<16xf32>
        %mul3A_387 = arith.mulf %bitcast_convert_type3A_372, %get3A_386 : vector<16xf32>
        %swap3A_388 = arith.index_cast %scan3A_272 : i32 to index
        %swap3A_389 = arith.constant 112 : index
        %swap3A_390 = tpu.vector_load %arg11[%swap3A_388, %swap3A_389] {strides = array<i32>} : memref<128x128xf32, #tpu.memory_space<vmem>>, vector<1x16xf32>,
        %swap3A_391 = vector.shape_cast %swap3A_390 : vector<1x16xf32> to vector<16xf32>
        %swap3A_392 = vector.shape_cast %mul3A_387 : vector<16xf32> to vector<1x16xf32>
        tpu.vector_store %arg11[%swap3A_388, %swap3A_389], %swap3A_392 {strides = array<i32>} : memref<128x128xf32, #tpu.memory_space<vmem>>, vector<1x16xf32>,
        %scan3A_393 = arith.constant 0 : i32
        scf.yield %scan3A_393 : i32
      }
      %scan3A_222 = arith.constant 128 : i32
      %add3A_223 = arith.addi %mul3A_2, %add3A_193 : i32
      %mul3A_224 = arith.constant 128 : i32
      %mul3A_225 = arith.muli %add3A_223, %mul3A_224 : i32
      %dma_wait3A_226 = arith.constant 0 : i32
      %dma_wait3A_227 = arith.constant 0 : i32
      %dma_wait3A_228 = arith.constant 0 : i32
      %dma_wait3A_229 = tpu.memref_slice %arg7[%dma_wait3A_227, %dma_wait3A_228] : memref<1x128xi32, #tpu.memory_space<vmem>> -> memref<1x128xi32, #tpu.memory_space<vmem>>
      %dma_wait3A_230 = tpu.memref_squeeze %dma_wait3A_229 : memref<1x128xi32, #tpu.memory_space<vmem>> -> memref<128xi32, #tpu.memory_space<vmem>>
      %dma_wait3A_231 = tpu.memref_slice %arg4[%dma_wait3A_226, %mul3A_225] : memref<2x320000xi32, #tpu.memory_space<hbm>> -> memref<1x128xi32, #tpu.memory_space<hbm>>
      %dma_wait3A_232 = tpu.memref_squeeze %dma_wait3A_231 : memref<1x128xi32, #tpu.memory_space<hbm>> -> memref<128xi32, #tpu.memory_space<hbm>>
      %dma_wait3A_233 = arith.constant 0 : i32
      %dma_wait3A_234 = tpu.memref_slice %arg7[%dma_wait3A_227, %dma_wait3A_233] : memref<1x128xi32, #tpu.memory_space<vmem>> -> memref<1x128xi32, #tpu.memory_space<vmem>>
      %dma_wait3A_235 = tpu.memref_squeeze %dma_wait3A_234 : memref<1x128xi32, #tpu.memory_space<vmem>> -> memref<128xi32, #tpu.memory_space<vmem>>
      %dma_wait3A_236 = tpu.memref_slice %arg4[%dma_wait3A_226, %mul3A_225] : memref<2x320000xi32, #tpu.memory_space<hbm>> -> memref<1x128xi32, #tpu.memory_space<hbm>>
      %dma_wait3A_237 = tpu.memref_squeeze %dma_wait3A_236 : memref<1x128xi32, #tpu.memory_space<hbm>> -> memref<128xi32, #tpu.memory_space<hbm>>
      tpu.wait_dma2 semaphore(%arg22 : memref<!tpu.dma_semaphore, #tpu.memory_space<semaphore_mem>>) src(%dma_wait3A_237 : memref<128xi32, #tpu.memory_space<hbm>>) dst(%dma_wait3A_235 : memref<128xi32, #tpu.memory_space<vmem>>)
      %dma_start3A_238 = arith.constant 0 : i32
      %dma_start3A_239 = arith.constant 0 : i32
      %dma_start3A_240 = tpu.memref_slice %arg7[%dma_start3A_238, %dma_start3A_239] : memref<1x128xi32, #tpu.memory_space<vmem>> -> memref<1x128xi32, #tpu.memory_space<vmem>>
      %dma_start3A_241 = tpu.memref_squeeze %dma_start3A_240 : memref<1x128xi32, #tpu.memory_space<vmem>> -> memref<128xi32, #tpu.memory_space<vmem>>
      %dma_start3A_242 = arith.constant 0 : i32
      %dma_start3A_243 = arith.constant 0 : i32
      %dma_start3A_244 = tpu.memref_slice %arg13[%dma_start3A_242, %dma_start3A_243] : memref<10000x128xf32, #tpu.memory_space<vmem_shared>> -> memref<10000x128xf32, #tpu.memory_space<vmem_shared>>
      tpu.enqueue_indirect_dma source(%arg11 : memref<128x128xf32, #tpu.memory_space<vmem>>) target(%dma_start3A_244 : memref<10000x128xf32, #tpu.memory_space<vmem_shared>>) offsets(%dma_start3A_241 : memref<128xi32, #tpu.memory_space<vmem>>) semaphore(%arg18 : memref<!tpu.dma_semaphore, #tpu.memory_space<semaphore_mem>>) {add = true}
      %add3A_245 = arith.constant 1 : i32
      %add3A_246 = arith.addi %add3A_193, %add3A_245 : i32
      %lt3A_247 = arith.constant 78 : i32
      %lt3A_248 = arith.cmpi slt, %add3A_246, %lt3A_247 : i32
      %convert_element_type3A_249 = arith.extui %lt3A_248 : i1 to i32
      %cond3A_250 = arith.constant 0 : i32
      %cond3A_251 = arith.cmpi ne, %convert_element_type3A_249, %cond3A_250 : i32
      scf.if %cond3A_251 {
        %add3A_272 = arith.constant 1 : i32
        %add3A_273 = arith.addi %add3A_193, %add3A_272 : i32
        %add3A_274 = arith.addi %mul3A_2, %add3A_273 : i32
        %mul3A_275 = arith.constant 128 : i32
        %mul3A_276 = arith.muli %add3A_274, %mul3A_275 : i32
        %dma_start3A_277 = arith.constant 0 : i32
        %dma_start3A_278 = tpu.memref_slice %arg2[%mul3A_276, %dma_start3A_277] : memref<320000x64xi32, #tpu.memory_space<hbm>> -> memref<128x64xi32, #tpu.memory_space<hbm>>
        %dma_start3A_279 = arith.constant 0 : i32
        %dma_start3A_280 = tpu.memref_slice %arg2[%mul3A_276, %dma_start3A_279] : memref<320000x64xi32, #tpu.memory_space<hbm>> -> memref<128x64xi32, #tpu.memory_space<hbm>>
        tpu.enqueue_dma source(%dma_start3A_280 : memref<128x64xi32, #tpu.memory_space<hbm>>) target(%arg12 : memref<128x64xi32, #tpu.memory_space<vmem>>) target_semaphore(%arg16 : memref<!tpu.dma_semaphore, #tpu.memory_space<semaphore_mem>>)
      } else {
      }
      %ge3A_252 = arith.constant 1 : i32
      %ge3A_253 = arith.cmpi sge, %add3A_193, %ge3A_252 : i32
      %convert_element_type3A_254 = arith.extui %ge3A_253 : i1 to i32
      %cond3A_255 = arith.constant 0 : i32
      %cond3A_256 = arith.cmpi ne, %convert_element_type3A_254, %cond3A_255 : i32
      scf.if %cond3A_256 {
        %dma_wait3A_272 = arith.constant 0 : i32
        %dma_wait3A_273 = arith.constant 0 : i32
        %dma_wait3A_274 = tpu.memref_slice %arg6[%dma_wait3A_272, %dma_wait3A_273] : memref<1x128xi32, #tpu.memory_space<vmem>> -> memref<1x128xi32, #tpu.memory_space<vmem>>
        %dma_wait3A_275 = tpu.memref_squeeze %dma_wait3A_274 : memref<1x128xi32, #tpu.memory_space<vmem>> -> memref<128xi32, #tpu.memory_space<vmem>>
        %dma_wait3A_276 = arith.constant 0 : i32
        %dma_wait3A_277 = arith.constant 0 : i32
        %dma_wait3A_278 = tpu.memref_slice %arg13[%dma_wait3A_276, %dma_wait3A_277] : memref<10000x128xf32, #tpu.memory_space<vmem_shared>> -> memref<10000x128xf32, #tpu.memory_space<vmem_shared>>
        tpu.wait_indirect_dma semaphore(%arg17 : memref<!tpu.dma_semaphore, #tpu.memory_space<semaphore_mem>>) src(%arg10 : memref<128x128xf32, #tpu.memory_space<vmem>>) dst(%dma_wait3A_278 : memref<10000x128xf32, #tpu.memory_space<vmem_shared>>)
      } else {
      }
      %add3A_257 = arith.constant 1 : i32
      %add3A_258 = arith.addi %add3A_193, %add3A_257 : i32
      %lt3A_259 = arith.constant 78 : i32
      %lt3A_260 = arith.cmpi slt, %add3A_258, %lt3A_259 : i32
      %convert_element_type3A_261 = arith.extui %lt3A_260 : i1 to i32
      %cond3A_262 = arith.constant 0 : i32
      %cond3A_263 = arith.cmpi ne, %convert_element_type3A_261, %cond3A_262 : i32
      scf.if %cond3A_263 {
        %add3A_272 = arith.constant 1 : i32
        %add3A_273 = arith.addi %add3A_193, %add3A_272 : i32
        %add3A_274 = arith.addi %mul3A_2, %add3A_273 : i32
        %mul3A_275 = arith.constant 128 : i32
        %mul3A_276 = arith.muli %add3A_274, %mul3A_275 : i32
        %dma_start3A_277 = arith.constant 0 : i32
        %dma_start3A_278 = arith.constant 0 : i32
        %dma_start3A_279 = arith.constant 0 : i32
        %dma_start3A_280 = tpu.memref_slice %arg6[%dma_start3A_278, %dma_start3A_279] : memref<1x128xi32, #tpu.memory_space<vmem>> -> memref<1x128xi32, #tpu.memory_space<vmem>>
        %dma_start3A_281 = tpu.memref_squeeze %dma_start3A_280 : memref<1x128xi32, #tpu.memory_space<vmem>> -> memref<128xi32, #tpu.memory_space<vmem>>
        %dma_start3A_282 = tpu.memref_slice %arg4[%dma_start3A_277, %mul3A_276] : memref<2x320000xi32, #tpu.memory_space<hbm>> -> memref<1x128xi32, #tpu.memory_space<hbm>>
        %dma_start3A_283 = tpu.memref_squeeze %dma_start3A_282 : memref<1x128xi32, #tpu.memory_space<hbm>> -> memref<128xi32, #tpu.memory_space<hbm>>
        %dma_start3A_284 = arith.constant 0 : i32
        %dma_start3A_285 = tpu.memref_slice %arg6[%dma_start3A_278, %dma_start3A_284] : memref<1x128xi32, #tpu.memory_space<vmem>> -> memref<1x128xi32, #tpu.memory_space<vmem>>
        %dma_start3A_286 = tpu.memref_squeeze %dma_start3A_285 : memref<1x128xi32, #tpu.memory_space<vmem>> -> memref<128xi32, #tpu.memory_space<vmem>>
        %dma_start3A_287 = tpu.memref_slice %arg4[%dma_start3A_277, %mul3A_276] : memref<2x320000xi32, #tpu.memory_space<hbm>> -> memref<1x128xi32, #tpu.memory_space<hbm>>
        %dma_start3A_288 = tpu.memref_squeeze %dma_start3A_287 : memref<1x128xi32, #tpu.memory_space<hbm>> -> memref<128xi32, #tpu.memory_space<hbm>>
        tpu.enqueue_dma source(%dma_start3A_288 : memref<128xi32, #tpu.memory_space<hbm>>) target(%dma_start3A_286 : memref<128xi32, #tpu.memory_space<vmem>>) target_semaphore(%arg21 : memref<!tpu.dma_semaphore, #tpu.memory_space<semaphore_mem>>)
      } else {
      }
      %add3A_264 = arith.constant 1 : i32
      %add3A_265 = arith.addi %add3A_193, %add3A_264 : i32
      %lt3A_266 = arith.constant 78 : i32
      %lt3A_267 = arith.cmpi slt, %add3A_265, %lt3A_266 : i32
      %convert_element_type3A_268 = arith.extui %lt3A_267 : i1 to i32
      %cond3A_269 = arith.constant 0 : i32
      %cond3A_270 = arith.cmpi ne, %convert_element_type3A_268, %cond3A_269 : i32
      scf.if %cond3A_270 {
        %add3A_272 = arith.constant 1 : i32
        %add3A_273 = arith.addi %add3A_193, %add3A_272 : i32
        %add3A_274 = arith.addi %mul3A_2, %add3A_273 : i32
        %mul3A_275 = arith.constant 128 : i32
        %mul3A_276 = arith.muli %add3A_274, %mul3A_275 : i32
        %dma_wait3A_277 = arith.constant 1 : i32
        %dma_wait3A_278 = arith.constant 0 : i32
        %dma_wait3A_279 = arith.constant 0 : i32
        %dma_wait3A_280 = tpu.memref_slice %arg8[%dma_wait3A_278, %dma_wait3A_279] : memref<1x128xi32, #tpu.memory_space<vmem>> -> memref<1x128xi32, #tpu.memory_space<vmem>>
        %dma_wait3A_281 = tpu.memref_squeeze %dma_wait3A_280 : memref<1x128xi32, #tpu.memory_space<vmem>> -> memref<128xi32, #tpu.memory_space<vmem>>
        %dma_wait3A_282 = tpu.memref_slice %arg4[%dma_wait3A_277, %mul3A_276] : memref<2x320000xi32, #tpu.memory_space<hbm>> -> memref<1x128xi32, #tpu.memory_space<hbm>>
        %dma_wait3A_283 = tpu.memref_squeeze %dma_wait3A_282 : memref<1x128xi32, #tpu.memory_space<hbm>> -> memref<128xi32, #tpu.memory_space<hbm>>
        %dma_wait3A_284 = arith.constant 0 : i32
        %dma_wait3A_285 = tpu.memref_slice %arg8[%dma_wait3A_278, %dma_wait3A_284] : memref<1x128xi32, #tpu.memory_space<vmem>> -> memref<1x128xi32, #tpu.memory_space<vmem>>
        %dma_wait3A_286 = tpu.memref_squeeze %dma_wait3A_285 : memref<1x128xi32, #tpu.memory_space<vmem>> -> memref<128xi32, #tpu.memory_space<vmem>>
        %dma_wait3A_287 = tpu.memref_slice %arg4[%dma_wait3A_277, %mul3A_276] : memref<2x320000xi32, #tpu.memory_space<hbm>> -> memref<1x128xi32, #tpu.memory_space<hbm>>
        %dma_wait3A_288 = tpu.memref_squeeze %dma_wait3A_287 : memref<1x128xi32, #tpu.memory_space<hbm>> -> memref<128xi32, #tpu.memory_space<hbm>>
        tpu.wait_dma2 semaphore(%arg19 : memref<!tpu.dma_semaphore, #tpu.memory_space<semaphore_mem>>) src(%dma_wait3A_288 : memref<128xi32, #tpu.memory_space<hbm>>) dst(%dma_wait3A_286 : memref<128xi32, #tpu.memory_space<vmem>>)
        %add3A_289 = arith.constant 1 : i32
        %add3A_290 = arith.addi %add3A_193, %add3A_289 : i32
        %dma_start3A_291 = arith.constant 0 : i32
        %dma_start3A_292 = arith.constant 0 : i32
        %dma_start3A_293 = tpu.memref_slice %arg8[%dma_start3A_291, %dma_start3A_292] : memref<1x128xi32, #tpu.memory_space<vmem>> -> memref<1x128xi32, #tpu.memory_space<vmem>>
        %dma_start3A_294 = tpu.memref_squeeze %dma_start3A_293 : memref<1x128xi32, #tpu.memory_space<vmem>> -> memref<128xi32, #tpu.memory_space<vmem>>
        %dma_start3A_295 = arith.constant 0 : i32
        %dma_start3A_296 = arith.constant 0 : i32
        %dma_start3A_297 = tpu.memref_slice %arg3[%dma_start3A_295, %dma_start3A_296] : memref<10000x128xf32, #tpu.memory_space<hbm>> -> memref<10000x128xf32, #tpu.memory_space<hbm>>
        tpu.enqueue_indirect_dma source(%dma_start3A_297 : memref<10000x128xf32, #tpu.memory_space<hbm>>) target(%arg10 : memref<128x128xf32, #tpu.memory_space<vmem>>) offsets(%dma_start3A_294 : memref<128xi32, #tpu.memory_space<vmem>>) semaphore(%arg14 : memref<!tpu.dma_semaphore, #tpu.memory_space<semaphore_mem>>)
      } else {
      }
      %scan3A_271 = arith.constant 0 : i32
      scf.yield %scan3A_271 : i32
    }
    %scan3A_90 = arith.constant 39 : i32
    %dma_wait3A_91 = arith.constant 0 : i32
    %dma_wait3A_92 = arith.constant 0 : i32
    %dma_wait3A_93 = tpu.memref_slice %arg7[%dma_wait3A_91, %dma_wait3A_92] : memref<1x128xi32, #tpu.memory_space<vmem>> -> memref<1x128xi32, #tpu.memory_space<vmem>>
    %dma_wait3A_94 = tpu.memref_squeeze %dma_wait3A_93 : memref<1x128xi32, #tpu.memory_space<vmem>> -> memref<128xi32, #tpu.memory_space<vmem>>
    %dma_wait3A_95 = arith.constant 0 : i32
    %dma_wait3A_96 = arith.constant 0 : i32
    %dma_wait3A_97 = tpu.memref_slice %arg13[%dma_wait3A_95, %dma_wait3A_96] : memref<10000x128xf32, #tpu.memory_space<vmem_shared>> -> memref<10000x128xf32, #tpu.memory_space<vmem_shared>>
    tpu.wait_indirect_dma semaphore(%arg18 : memref<!tpu.dma_semaphore, #tpu.memory_space<semaphore_mem>>) src(%arg11 : memref<128x128xf32, #tpu.memory_space<vmem>>) dst(%dma_wait3A_97 : memref<10000x128xf32, #tpu.memory_space<vmem_shared>>)
    %lt3A = arith.constant 4 : i32
    %lt3A_98 = arith.cmpi slt, %add3A, %lt3A : i32
    %convert_element_type3A_99 = arith.extui %lt3A_98 : i1 to i32
    %cond3A_100 = arith.constant 0 : i32
    %cond3A_101 = arith.cmpi ne, %convert_element_type3A_99, %cond3A_100 : i32
    scf.if %cond3A_101 {
      %add3A_108 = arith.constant 2496 : i32
      %add3A_109 = arith.addi %add3A_108, %add3A : i32
      %mul3A_110 = arith.constant 128 : i32
      %mul3A_111 = arith.muli %add3A_109, %mul3A_110 : i32
      %run_scoped3A = arith.constant 1 : i32
      %run_scoped3A_112 = arith.constant 0 : i32
      "tpu.region"() ({
        %run_scoped3A_159 = tpu.sem_alloc : memref<!tpu.dma_semaphore, #tpu.memory_space<semaphore_mem>>
        %dma_start3A_160 = arith.constant 0 : i32
        %dma_start3A_161 = tpu.memref_slice %arg8[%run_scoped3A_112, %dma_start3A_160] : memref<1x128xi32, #tpu.memory_space<vmem>> -> memref<1x128xi32, #tpu.memory_space<vmem>>
        %dma_start3A_162 = tpu.memref_squeeze %dma_start3A_161 : memref<1x128xi32, #tpu.memory_space<vmem>> -> memref<128xi32, #tpu.memory_space<vmem>>
        %dma_start3A_163 = tpu.memref_slice %arg4[%run_scoped3A, %mul3A_111] : memref<2x320000xi32, #tpu.memory_space<hbm>> -> memref<1x128xi32, #tpu.memory_space<hbm>>
        %dma_start3A_164 = tpu.memref_squeeze %dma_start3A_163 : memref<1x128xi32, #tpu.memory_space<hbm>> -> memref<128xi32, #tpu.memory_space<hbm>>
        %dma_start3A_165 = arith.constant 0 : i32
        %dma_start3A_166 = tpu.memref_slice %arg8[%run_scoped3A_112, %dma_start3A_165] : memref<1x128xi32, #tpu.memory_space<vmem>> -> memref<1x128xi32, #tpu.memory_space<vmem>>
        %dma_start3A_167 = tpu.memref_squeeze %dma_start3A_166 : memref<1x128xi32, #tpu.memory_space<vmem>> -> memref<128xi32, #tpu.memory_space<vmem>>
        %dma_start3A_168 = tpu.memref_slice %arg4[%run_scoped3A, %mul3A_111] : memref<2x320000xi32, #tpu.memory_space<hbm>> -> memref<1x128xi32, #tpu.memory_space<hbm>>
        %dma_start3A_169 = tpu.memref_squeeze %dma_start3A_168 : memref<1x128xi32, #tpu.memory_space<hbm>> -> memref<128xi32, #tpu.memory_space<hbm>>
        tpu.enqueue_dma source(%dma_start3A_169 : memref<128xi32, #tpu.memory_space<hbm>>) target(%dma_start3A_167 : memref<128xi32, #tpu.memory_space<vmem>>) target_semaphore(%run_scoped3A_159 : memref<!tpu.dma_semaphore, #tpu.memory_space<semaphore_mem>>)
        %dma_wait3A_170 = arith.constant 0 : i32
        %dma_wait3A_171 = tpu.memref_slice %arg8[%run_scoped3A_112, %dma_wait3A_170] : memref<1x128xi32, #tpu.memory_space<vmem>> -> memref<1x128xi32, #tpu.memory_space<vmem>>
        %dma_wait3A_172 = tpu.memref_squeeze %dma_wait3A_171 : memref<1x128xi32, #tpu.memory_space<vmem>> -> memref<128xi32, #tpu.memory_space<vmem>>
        %dma_wait3A_173 = tpu.memref_slice %arg4[%run_scoped3A, %mul3A_111] : memref<2x320000xi32, #tpu.memory_space<hbm>> -> memref<1x128xi32, #tpu.memory_space<hbm>>
        %dma_wait3A_174 = tpu.memref_squeeze %dma_wait3A_173 : memref<1x128xi32, #tpu.memory_space<hbm>> -> memref<128xi32, #tpu.memory_space<hbm>>
        %dma_wait3A_175 = arith.constant 0 : i32
        %dma_wait3A_176 = tpu.memref_slice %arg8[%run_scoped3A_112, %dma_wait3A_175] : memref<1x128xi32, #tpu.memory_space<vmem>> -> memref<1x128xi32, #tpu.memory_space<vmem>>
        %dma_wait3A_177 = tpu.memref_squeeze %dma_wait3A_176 : memref<1x128xi32, #tpu.memory_space<vmem>> -> memref<128xi32, #tpu.memory_space<vmem>>
        %dma_wait3A_178 = tpu.memref_slice %arg4[%run_scoped3A, %mul3A_111] : memref<2x320000xi32, #tpu.memory_space<hbm>> -> memref<1x128xi32, #tpu.memory_space<hbm>>
        %dma_wait3A_179 = tpu.memref_squeeze %dma_wait3A_178 : memref<1x128xi32, #tpu.memory_space<hbm>> -> memref<128xi32, #tpu.memory_space<hbm>>
        tpu.wait_dma2 semaphore(%run_scoped3A_159 : memref<!tpu.dma_semaphore, #tpu.memory_space<semaphore_mem>>) src(%dma_wait3A_179 : memref<128xi32, #tpu.memory_space<hbm>>) dst(%dma_wait3A_177 : memref<128xi32, #tpu.memory_space<vmem>>)
        tpu.yield
      }) : () -> ()
      %dma_start3A_113 = arith.constant 0 : i32
      %dma_start3A_114 = arith.constant 0 : i32
      %dma_start3A_115 = tpu.memref_slice %arg8[%dma_start3A_113, %dma_start3A_114] : memref<1x128xi32, #tpu.memory_space<vmem>> -> memref<1x128xi32, #tpu.memory_space<vmem>>
      %dma_start3A_116 = tpu.memref_squeeze %dma_start3A_115 : memref<1x128xi32, #tpu.memory_space<vmem>> -> memref<128xi32, #tpu.memory_space<vmem>>
      %dma_start3A_117 = arith.constant 0 : i32
      %dma_start3A_118 = arith.constant 0 : i32
      %dma_start3A_119 = tpu.memref_slice %arg3[%dma_start3A_117, %dma_start3A_118] : memref<10000x128xf32, #tpu.memory_space<hbm>> -> memref<10000x128xf32, #tpu.memory_space<hbm>>
      tpu.enqueue_indirect_dma source(%dma_start3A_119 : memref<10000x128xf32, #tpu.memory_space<hbm>>) target(%arg10 : memref<128x128xf32, #tpu.memory_space<vmem>>) offsets(%dma_start3A_116 : memref<128xi32, #tpu.memory_space<vmem>>) semaphore(%arg14 : memref<!tpu.dma_semaphore, #tpu.memory_space<semaphore_mem>>)
      %dma_wait3A_120 = arith.constant 0 : i32
      %dma_wait3A_121 = arith.constant 0 : i32
      %dma_wait3A_122 = tpu.memref_slice %arg8[%dma_wait3A_120, %dma_wait3A_121] : memref<1x128xi32, #tpu.memory_space<vmem>> -> memref<1x128xi32, #tpu.memory_space<vmem>>
      %dma_wait3A_123 = tpu.memref_squeeze %dma_wait3A_122 : memref<1x128xi32, #tpu.memory_space<vmem>> -> memref<128xi32, #tpu.memory_space<vmem>>
      %dma_wait3A_124 = arith.constant 0 : i32
      %dma_wait3A_125 = arith.constant 0 : i32
      %dma_wait3A_126 = tpu.memref_slice %arg3[%dma_wait3A_124, %dma_wait3A_125] : memref<10000x128xf32, #tpu.memory_space<hbm>> -> memref<10000x128xf32, #tpu.memory_space<hbm>>
      tpu.wait_indirect_dma semaphore(%arg14 : memref<!tpu.dma_semaphore, #tpu.memory_space<semaphore_mem>>) src(%dma_wait3A_126 : memref<10000x128xf32, #tpu.memory_space<hbm>>) dst(%arg10 : memref<128x128xf32, #tpu.memory_space<vmem>>)
      %run_scoped3A_127 = arith.constant 0 : i32
      %run_scoped3A_128 = arith.constant 0 : i32
      "tpu.region"() ({
        %run_scoped3A_159 = tpu.sem_alloc : memref<!tpu.dma_semaphore, #tpu.memory_space<semaphore_mem>>
        %dma_start3A_160 = arith.constant 0 : i32
        %dma_start3A_161 = tpu.memref_slice %arg6[%run_scoped3A_128, %dma_start3A_160] : memref<1x128xi32, #tpu.memory_space<vmem>> -> memref<1x128xi32, #tpu.memory_space<vmem>>
        %dma_start3A_162 = tpu.memref_squeeze %dma_start3A_161 : memref<1x128xi32, #tpu.memory_space<vmem>> -> memref<128xi32, #tpu.memory_space<vmem>>
        %dma_start3A_163 = tpu.memref_slice %arg4[%run_scoped3A_127, %mul3A_111] : memref<2x320000xi32, #tpu.memory_space<hbm>> -> memref<1x128xi32, #tpu.memory_space<hbm>>
        %dma_start3A_164 = tpu.memref_squeeze %dma_start3A_163 : memref<1x128xi32, #tpu.memory_space<hbm>> -> memref<128xi32, #tpu.memory_space<hbm>>
        %dma_start3A_165 = arith.constant 0 : i32
        %dma_start3A_166 = tpu.memref_slice %arg6[%run_scoped3A_128, %dma_start3A_165] : memref<1x128xi32, #tpu.memory_space<vmem>> -> memref<1x128xi32, #tpu.memory_space<vmem>>
        %dma_start3A_167 = tpu.memref_squeeze %dma_start3A_166 : memref<1x128xi32, #tpu.memory_space<vmem>> -> memref<128xi32, #tpu.memory_space<vmem>>
        %dma_start3A_168 = tpu.memref_slice %arg4[%run_scoped3A_127, %mul3A_111] : memref<2x320000xi32, #tpu.memory_space<hbm>> -> memref<1x128xi32, #tpu.memory_space<hbm>>
        %dma_start3A_169 = tpu.memref_squeeze %dma_start3A_168 : memref<1x128xi32, #tpu.memory_space<hbm>> -> memref<128xi32, #tpu.memory_space<hbm>>
        tpu.enqueue_dma source(%dma_start3A_169 : memref<128xi32, #tpu.memory_space<hbm>>) target(%dma_start3A_167 : memref<128xi32, #tpu.memory_space<vmem>>) target_semaphore(%run_scoped3A_159 : memref<!tpu.dma_semaphore, #tpu.memory_space<semaphore_mem>>)
        %dma_wait3A_170 = arith.constant 0 : i32
        %dma_wait3A_171 = tpu.memref_slice %arg6[%run_scoped3A_128, %dma_wait3A_170] : memref<1x128xi32, #tpu.memory_space<vmem>> -> memref<1x128xi32, #tpu.memory_space<vmem>>
        %dma_wait3A_172 = tpu.memref_squeeze %dma_wait3A_171 : memref<1x128xi32, #tpu.memory_space<vmem>> -> memref<128xi32, #tpu.memory_space<vmem>>
        %dma_wait3A_173 = tpu.memref_slice %arg4[%run_scoped3A_127, %mul3A_111] : memref<2x320000xi32, #tpu.memory_space<hbm>> -> memref<1x128xi32, #tpu.memory_space<hbm>>
        %dma_wait3A_174 = tpu.memref_squeeze %dma_wait3A_173 : memref<1x128xi32, #tpu.memory_space<hbm>> -> memref<128xi32, #tpu.memory_space<hbm>>
        %dma_wait3A_175 = arith.constant 0 : i32
        %dma_wait3A_176 = tpu.memref_slice %arg6[%run_scoped3A_128, %dma_wait3A_175] : memref<1x128xi32, #tpu.memory_space<vmem>> -> memref<1x128xi32, #tpu.memory_space<vmem>>
        %dma_wait3A_177 = tpu.memref_squeeze %dma_wait3A_176 : memref<1x128xi32, #tpu.memory_space<vmem>> -> memref<128xi32, #tpu.memory_space<vmem>>
        %dma_wait3A_178 = tpu.memref_slice %arg4[%run_scoped3A_127, %mul3A_111] : memref<2x320000xi32, #tpu.memory_space<hbm>> -> memref<1x128xi32, #tpu.memory_space<hbm>>
        %dma_wait3A_179 = tpu.memref_squeeze %dma_wait3A_178 : memref<1x128xi32, #tpu.memory_space<hbm>> -> memref<128xi32, #tpu.memory_space<hbm>>
        tpu.wait_dma2 semaphore(%run_scoped3A_159 : memref<!tpu.dma_semaphore, #tpu.memory_space<semaphore_mem>>) src(%dma_wait3A_179 : memref<128xi32, #tpu.memory_space<hbm>>) dst(%dma_wait3A_177 : memref<128xi32, #tpu.memory_space<vmem>>)
        tpu.yield
      }) : () -> ()
      %dma_start3A_129 = arith.constant 0 : i32
      %dma_start3A_130 = tpu.memref_slice %arg2[%mul3A_111, %dma_start3A_129] : memref<320000x64xi32, #tpu.memory_space<hbm>> -> memref<128x64xi32, #tpu.memory_space<hbm>>
      %dma_start3A_131 = arith.constant 0 : i32
      %dma_start3A_132 = tpu.memref_slice %arg2[%mul3A_111, %dma_start3A_131] : memref<320000x64xi32, #tpu.memory_space<hbm>> -> memref<128x64xi32, #tpu.memory_space<hbm>>
      tpu.enqueue_dma source(%dma_start3A_132 : memref<128x64xi32, #tpu.memory_space<hbm>>) target(%arg12 : memref<128x64xi32, #tpu.memory_space<vmem>>) target_semaphore(%arg16 : memref<!tpu.dma_semaphore, #tpu.memory_space<semaphore_mem>>)
      %dma_wait3A_133 = arith.constant 0 : i32
      %dma_wait3A_134 = tpu.memref_slice %arg2[%mul3A_111, %dma_wait3A_133] : memref<320000x64xi32, #tpu.memory_space<hbm>> -> memref<128x64xi32, #tpu.memory_space<hbm>>
      %dma_wait3A_135 = arith.constant 0 : i32
      %dma_wait3A_136 = tpu.memref_slice %arg2[%mul3A_111, %dma_wait3A_135] : memref<320000x64xi32, #tpu.memory_space<hbm>> -> memref<128x64xi32, #tpu.memory_space<hbm>>
      tpu.wait_dma2 semaphore(%arg16 : memref<!tpu.dma_semaphore, #tpu.memory_space<semaphore_mem>>) src(%dma_wait3A_136 : memref<128x64xi32, #tpu.memory_space<hbm>>) dst(%arg12 : memref<128x64xi32, #tpu.memory_space<vmem>>)
      %scan3A_137 = arith.constant -65536 : i32
      %scan3A_138 = arith.constant 0 : i32
      %scan3A_139 = arith.constant 0 : i32
      %scan3A_140 = arith.constant 128 : i32
      %scan3A_141 = arith.addi %scan3A_139, %scan3A_140 : i32
      %scan3A_142 = arith.constant 1 : i32
      %scan3A_143 = scf.for %scan3A_159 = %scan3A_139 to %scan3A_141 step %scan3A_142 iter_args(%scan3A_160 = %scan3A_138) -> (i32)  : i32 {
        %get3A = arith.index_cast %scan3A_159 : i32 to index
        %get3A_161 = arith.constant 0 : index
        %get3A_162 = tpu.vector_load %arg12[%get3A, %get3A_161] {strides = array<i32>} : memref<128x64xi32, #tpu.memory_space<vmem>>, vector<1x16xi32>,
        %get3A_163 = vector.shape_cast %get3A_162 : vector<1x16xi32> to vector<16xi32>
        %shift_left3A = arith.constant 16 : i32
        %shift_left3A_164 = vector.broadcast %shift_left3A : i32 to vector<16xi32>
        %shift_left3A_165 = arith.shli %get3A_163, %shift_left3A_164 : vector<16xi32>
        %bitcast_convert_type3A = tpu.bitcast %shift_left3A_165 : vector<16xi32> -> vector<16xf32>
        %and3A = vector.broadcast %scan3A_137 : i32 to vector<16xi32>
        %and3A_166 = arith.andi %get3A_163, %and3A : vector<16xi32>
        %bitcast_convert_type3A_167 = tpu.bitcast %and3A_166 : vector<16xi32> -> vector<16xf32>
        %get3A_168 = arith.index_cast %scan3A_159 : i32 to index
        %get3A_169 = arith.constant 0 : index
        %get3A_170 = tpu.vector_load %arg10[%get3A_168, %get3A_169] {strides = array<i32>} : memref<128x128xf32, #tpu.memory_space<vmem>>, vector<1x16xf32>,
        %get3A_171 = vector.shape_cast %get3A_170 : vector<1x16xf32> to vector<16xf32>
        %mul3A_172 = arith.mulf %bitcast_convert_type3A, %get3A_171 : vector<16xf32>
        %swap3A = arith.index_cast %scan3A_159 : i32 to index
        %swap3A_173 = arith.constant 0 : index
        %swap3A_174 = tpu.vector_load %arg10[%swap3A, %swap3A_173] {strides = array<i32>} : memref<128x128xf32, #tpu.memory_space<vmem>>, vector<1x16xf32>,
        %swap3A_175 = vector.shape_cast %swap3A_174 : vector<1x16xf32> to vector<16xf32>
        %swap3A_176 = vector.shape_cast %mul3A_172 : vector<16xf32> to vector<1x16xf32>
        tpu.vector_store %arg10[%swap3A, %swap3A_173], %swap3A_176 {strides = array<i32>} : memref<128x128xf32, #tpu.memory_space<vmem>>, vector<1x16xf32>,
        %get3A_177 = arith.index_cast %scan3A_159 : i32 to index
        %get3A_178 = arith.constant 64 : index
        %get3A_179 = tpu.vector_load %arg10[%get3A_177, %get3A_178] {strides = array<i32>} : memref<128x128xf32, #tpu.memory_space<vmem>>, vector<1x16xf32>,
        %get3A_180 = vector.shape_cast %get3A_179 : vector<1x16xf32> to vector<16xf32>
        %mul3A_181 = arith.mulf %bitcast_convert_type3A_167, %get3A_180 : vector<16xf32>
        %swap3A_182 = arith.index_cast %scan3A_159 : i32 to index
        %swap3A_183 = arith.constant 64 : index
        %swap3A_184 = tpu.vector_load %arg10[%swap3A_182, %swap3A_183] {strides = array<i32>} : memref<128x128xf32, #tpu.memory_space<vmem>>, vector<1x16xf32>,
        %swap3A_185 = vector.shape_cast %swap3A_184 : vector<1x16xf32> to vector<16xf32>
        %swap3A_186 = vector.shape_cast %mul3A_181 : vector<16xf32> to vector<1x16xf32>
        tpu.vector_store %arg10[%swap3A_182, %swap3A_183], %swap3A_186 {strides = array<i32>} : memref<128x128xf32, #tpu.memory_space<vmem>>, vector<1x16xf32>,
        %get3A_187 = arith.index_cast %scan3A_159 : i32 to index
        %get3A_188 = arith.constant 16 : index
        %get3A_189 = tpu.vector_load %arg12[%get3A_187, %get3A_188] {strides = array<i32>} : memref<128x64xi32, #tpu.memory_space<vmem>>, vector<1x16xi32>,
        %get3A_190 = vector.shape_cast %get3A_189 : vector<1x16xi32> to vector<16xi32>
        %shift_left3A_191 = arith.constant 16 : i32
        %shift_left3A_192 = vector.broadcast %shift_left3A_191 : i32 to vector<16xi32>
        %shift_left3A_193 = arith.shli %get3A_190, %shift_left3A_192 : vector<16xi32>
        %bitcast_convert_type3A_194 = tpu.bitcast %shift_left3A_193 : vector<16xi32> -> vector<16xf32>
        %and3A_195 = vector.broadcast %scan3A_137 : i32 to vector<16xi32>
        %and3A_196 = arith.andi %get3A_190, %and3A_195 : vector<16xi32>
        %bitcast_convert_type3A_197 = tpu.bitcast %and3A_196 : vector<16xi32> -> vector<16xf32>
        %get3A_198 = arith.index_cast %scan3A_159 : i32 to index
        %get3A_199 = arith.constant 16 : index
        %get3A_200 = tpu.vector_load %arg10[%get3A_198, %get3A_199] {strides = array<i32>} : memref<128x128xf32, #tpu.memory_space<vmem>>, vector<1x16xf32>,
        %get3A_201 = vector.shape_cast %get3A_200 : vector<1x16xf32> to vector<16xf32>
        %mul3A_202 = arith.mulf %bitcast_convert_type3A_194, %get3A_201 : vector<16xf32>
        %swap3A_203 = arith.index_cast %scan3A_159 : i32 to index
        %swap3A_204 = arith.constant 16 : index
        %swap3A_205 = tpu.vector_load %arg10[%swap3A_203, %swap3A_204] {strides = array<i32>} : memref<128x128xf32, #tpu.memory_space<vmem>>, vector<1x16xf32>,
        %swap3A_206 = vector.shape_cast %swap3A_205 : vector<1x16xf32> to vector<16xf32>
        %swap3A_207 = vector.shape_cast %mul3A_202 : vector<16xf32> to vector<1x16xf32>
        tpu.vector_store %arg10[%swap3A_203, %swap3A_204], %swap3A_207 {strides = array<i32>} : memref<128x128xf32, #tpu.memory_space<vmem>>, vector<1x16xf32>,
        %get3A_208 = arith.index_cast %scan3A_159 : i32 to index
        %get3A_209 = arith.constant 80 : index
        %get3A_210 = tpu.vector_load %arg10[%get3A_208, %get3A_209] {strides = array<i32>} : memref<128x128xf32, #tpu.memory_space<vmem>>, vector<1x16xf32>,
        %get3A_211 = vector.shape_cast %get3A_210 : vector<1x16xf32> to vector<16xf32>
        %mul3A_212 = arith.mulf %bitcast_convert_type3A_197, %get3A_211 : vector<16xf32>
        %swap3A_213 = arith.index_cast %scan3A_159 : i32 to index
        %swap3A_214 = arith.constant 80 : index
        %swap3A_215 = tpu.vector_load %arg10[%swap3A_213, %swap3A_214] {strides = array<i32>} : memref<128x128xf32, #tpu.memory_space<vmem>>, vector<1x16xf32>,
        %swap3A_216 = vector.shape_cast %swap3A_215 : vector<1x16xf32> to vector<16xf32>
        %swap3A_217 = vector.shape_cast %mul3A_212 : vector<16xf32> to vector<1x16xf32>
        tpu.vector_store %arg10[%swap3A_213, %swap3A_214], %swap3A_217 {strides = array<i32>} : memref<128x128xf32, #tpu.memory_space<vmem>>, vector<1x16xf32>,
        %get3A_218 = arith.index_cast %scan3A_159 : i32 to index
        %get3A_219 = arith.constant 32 : index
        %get3A_220 = tpu.vector_load %arg12[%get3A_218, %get3A_219] {strides = array<i32>} : memref<128x64xi32, #tpu.memory_space<vmem>>, vector<1x16xi32>,
        %get3A_221 = vector.shape_cast %get3A_220 : vector<1x16xi32> to vector<16xi32>
        %shift_left3A_222 = arith.constant 16 : i32
        %shift_left3A_223 = vector.broadcast %shift_left3A_222 : i32 to vector<16xi32>
        %shift_left3A_224 = arith.shli %get3A_221, %shift_left3A_223 : vector<16xi32>
        %bitcast_convert_type3A_225 = tpu.bitcast %shift_left3A_224 : vector<16xi32> -> vector<16xf32>
        %and3A_226 = vector.broadcast %scan3A_137 : i32 to vector<16xi32>
        %and3A_227 = arith.andi %get3A_221, %and3A_226 : vector<16xi32>
        %bitcast_convert_type3A_228 = tpu.bitcast %and3A_227 : vector<16xi32> -> vector<16xf32>
        %get3A_229 = arith.index_cast %scan3A_159 : i32 to index
        %get3A_230 = arith.constant 32 : index
        %get3A_231 = tpu.vector_load %arg10[%get3A_229, %get3A_230] {strides = array<i32>} : memref<128x128xf32, #tpu.memory_space<vmem>>, vector<1x16xf32>,
        %get3A_232 = vector.shape_cast %get3A_231 : vector<1x16xf32> to vector<16xf32>
        %mul3A_233 = arith.mulf %bitcast_convert_type3A_225, %get3A_232 : vector<16xf32>
        %swap3A_234 = arith.index_cast %scan3A_159 : i32 to index
        %swap3A_235 = arith.constant 32 : index
        %swap3A_236 = tpu.vector_load %arg10[%swap3A_234, %swap3A_235] {strides = array<i32>} : memref<128x128xf32, #tpu.memory_space<vmem>>, vector<1x16xf32>,
        %swap3A_237 = vector.shape_cast %swap3A_236 : vector<1x16xf32> to vector<16xf32>
        %swap3A_238 = vector.shape_cast %mul3A_233 : vector<16xf32> to vector<1x16xf32>
        tpu.vector_store %arg10[%swap3A_234, %swap3A_235], %swap3A_238 {strides = array<i32>} : memref<128x128xf32, #tpu.memory_space<vmem>>, vector<1x16xf32>,
        %get3A_239 = arith.index_cast %scan3A_159 : i32 to index
        %get3A_240 = arith.constant 96 : index
        %get3A_241 = tpu.vector_load %arg10[%get3A_239, %get3A_240] {strides = array<i32>} : memref<128x128xf32, #tpu.memory_space<vmem>>, vector<1x16xf32>,
        %get3A_242 = vector.shape_cast %get3A_241 : vector<1x16xf32> to vector<16xf32>
        %mul3A_243 = arith.mulf %bitcast_convert_type3A_228, %get3A_242 : vector<16xf32>
        %swap3A_244 = arith.index_cast %scan3A_159 : i32 to index
        %swap3A_245 = arith.constant 96 : index
        %swap3A_246 = tpu.vector_load %arg10[%swap3A_244, %swap3A_245] {strides = array<i32>} : memref<128x128xf32, #tpu.memory_space<vmem>>, vector<1x16xf32>,
        %swap3A_247 = vector.shape_cast %swap3A_246 : vector<1x16xf32> to vector<16xf32>
        %swap3A_248 = vector.shape_cast %mul3A_243 : vector<16xf32> to vector<1x16xf32>
        tpu.vector_store %arg10[%swap3A_244, %swap3A_245], %swap3A_248 {strides = array<i32>} : memref<128x128xf32, #tpu.memory_space<vmem>>, vector<1x16xf32>,
        %get3A_249 = arith.index_cast %scan3A_159 : i32 to index
        %get3A_250 = arith.constant 48 : index
        %get3A_251 = tpu.vector_load %arg12[%get3A_249, %get3A_250] {strides = array<i32>} : memref<128x64xi32, #tpu.memory_space<vmem>>, vector<1x16xi32>,
        %get3A_252 = vector.shape_cast %get3A_251 : vector<1x16xi32> to vector<16xi32>
        %shift_left3A_253 = arith.constant 16 : i32
        %shift_left3A_254 = vector.broadcast %shift_left3A_253 : i32 to vector<16xi32>
        %shift_left3A_255 = arith.shli %get3A_252, %shift_left3A_254 : vector<16xi32>
        %bitcast_convert_type3A_256 = tpu.bitcast %shift_left3A_255 : vector<16xi32> -> vector<16xf32>
        %and3A_257 = vector.broadcast %scan3A_137 : i32 to vector<16xi32>
        %and3A_258 = arith.andi %get3A_252, %and3A_257 : vector<16xi32>
        %bitcast_convert_type3A_259 = tpu.bitcast %and3A_258 : vector<16xi32> -> vector<16xf32>
        %get3A_260 = arith.index_cast %scan3A_159 : i32 to index
        %get3A_261 = arith.constant 48 : index
        %get3A_262 = tpu.vector_load %arg10[%get3A_260, %get3A_261] {strides = array<i32>} : memref<128x128xf32, #tpu.memory_space<vmem>>, vector<1x16xf32>,
        %get3A_263 = vector.shape_cast %get3A_262 : vector<1x16xf32> to vector<16xf32>
        %mul3A_264 = arith.mulf %bitcast_convert_type3A_256, %get3A_263 : vector<16xf32>
        %swap3A_265 = arith.index_cast %scan3A_159 : i32 to index
        %swap3A_266 = arith.constant 48 : index
        %swap3A_267 = tpu.vector_load %arg10[%swap3A_265, %swap3A_266] {strides = array<i32>} : memref<128x128xf32, #tpu.memory_space<vmem>>, vector<1x16xf32>,
        %swap3A_268 = vector.shape_cast %swap3A_267 : vector<1x16xf32> to vector<16xf32>
        %swap3A_269 = vector.shape_cast %mul3A_264 : vector<16xf32> to vector<1x16xf32>
        tpu.vector_store %arg10[%swap3A_265, %swap3A_266], %swap3A_269 {strides = array<i32>} : memref<128x128xf32, #tpu.memory_space<vmem>>, vector<1x16xf32>,
        %get3A_270 = arith.index_cast %scan3A_159 : i32 to index
        %get3A_271 = arith.constant 112 : index
        %get3A_272 = tpu.vector_load %arg10[%get3A_270, %get3A_271] {strides = array<i32>} : memref<128x128xf32, #tpu.memory_space<vmem>>, vector<1x16xf32>,
        %get3A_273 = vector.shape_cast %get3A_272 : vector<1x16xf32> to vector<16xf32>
        %mul3A_274 = arith.mulf %bitcast_convert_type3A_259, %get3A_273 : vector<16xf32>
        %swap3A_275 = arith.index_cast %scan3A_159 : i32 to index
        %swap3A_276 = arith.constant 112 : index
        %swap3A_277 = tpu.vector_load %arg10[%swap3A_275, %swap3A_276] {strides = array<i32>} : memref<128x128xf32, #tpu.memory_space<vmem>>, vector<1x16xf32>,
        %swap3A_278 = vector.shape_cast %swap3A_277 : vector<1x16xf32> to vector<16xf32>
        %swap3A_279 = vector.shape_cast %mul3A_274 : vector<16xf32> to vector<1x16xf32>
        tpu.vector_store %arg10[%swap3A_275, %swap3A_276], %swap3A_279 {strides = array<i32>} : memref<128x128xf32, #tpu.memory_space<vmem>>, vector<1x16xf32>,
        %scan3A_280 = arith.constant 0 : i32
        scf.yield %scan3A_280 : i32
      }
      %scan3A_144 = arith.constant 128 : i32
      %dma_start3A_145 = arith.constant 0 : i32
      %dma_start3A_146 = arith.constant 0 : i32
      %dma_start3A_147 = tpu.memref_slice %arg6[%dma_start3A_145, %dma_start3A_146] : memref<1x128xi32, #tpu.memory_space<vmem>> -> memref<1x128xi32, #tpu.memory_space<vmem>>
      %dma_start3A_148 = tpu.memref_squeeze %dma_start3A_147 : memref<1x128xi32, #tpu.memory_space<vmem>> -> memref<128xi32, #tpu.memory_space<vmem>>
      %dma_start3A_149 = arith.constant 0 : i32
      %dma_start3A_150 = arith.constant 0 : i32
      %dma_start3A_151 = tpu.memref_slice %arg13[%dma_start3A_149, %dma_start3A_150] : memref<10000x128xf32, #tpu.memory_space<vmem_shared>> -> memref<10000x128xf32, #tpu.memory_space<vmem_shared>>
      tpu.enqueue_indirect_dma source(%arg10 : memref<128x128xf32, #tpu.memory_space<vmem>>) target(%dma_start3A_151 : memref<10000x128xf32, #tpu.memory_space<vmem_shared>>) offsets(%dma_start3A_148 : memref<128xi32, #tpu.memory_space<vmem>>) semaphore(%arg17 : memref<!tpu.dma_semaphore, #tpu.memory_space<semaphore_mem>>) {add = true}
      %dma_wait3A_152 = arith.constant 0 : i32
      %dma_wait3A_153 = arith.constant 0 : i32
      %dma_wait3A_154 = tpu.memref_slice %arg6[%dma_wait3A_152, %dma_wait3A_153] : memref<1x128xi32, #tpu.memory_space<vmem>> -> memref<1x128xi32, #tpu.memory_space<vmem>>
      %dma_wait3A_155 = tpu.memref_squeeze %dma_wait3A_154 : memref<1x128xi32, #tpu.memory_space<vmem>> -> memref<128xi32, #tpu.memory_space<vmem>>
      %dma_wait3A_156 = arith.constant 0 : i32
      %dma_wait3A_157 = arith.constant 0 : i32
      %dma_wait3A_158 = tpu.memref_slice %arg13[%dma_wait3A_156, %dma_wait3A_157] : memref<10000x128xf32, #tpu.memory_space<vmem_shared>> -> memref<10000x128xf32, #tpu.memory_space<vmem_shared>>
      tpu.wait_indirect_dma semaphore(%arg17 : memref<!tpu.dma_semaphore, #tpu.memory_space<semaphore_mem>>) src(%arg10 : memref<128x128xf32, #tpu.memory_space<vmem>>) dst(%dma_wait3A_158 : memref<10000x128xf32, #tpu.memory_space<vmem_shared>>)
    } else {
    }
    %barrier3A_102 = arith.constant 0 : index
    tpu.barrier barrier_id(%barrier3A_102)
    "tpu.region"() ({
      %run_scoped3A = tpu.sem_alloc : memref<!tpu.dma_semaphore, #tpu.memory_space<semaphore_mem>>
      %dma_start3A_108 = arith.constant 0 : i32
      %dma_start3A_109 = tpu.memref_slice %arg5[%arg0, %mul3A_10, %dma_start3A_108] : memref<2x10000x128xf32, #tpu.memory_space<hbm>> -> memref<1x624x128xf32, #tpu.memory_space<hbm>>
      %dma_start3A_110 = tpu.memref_squeeze %dma_start3A_109 : memref<1x624x128xf32, #tpu.memory_space<hbm>> -> memref<624x128xf32, #tpu.memory_space<hbm>>
      %dma_start3A_111 = arith.constant 0 : i32
      %dma_start3A_112 = tpu.memref_slice %arg13[%mul3A_10, %dma_start3A_111] : memref<10000x128xf32, #tpu.memory_space<vmem_shared>> -> memref<624x128xf32, #tpu.memory_space<vmem_shared>>
      tpu.enqueue_dma source(%dma_start3A_112 : memref<624x128xf32, #tpu.memory_space<vmem_shared>>) target(%dma_start3A_110 : memref<624x128xf32, #tpu.memory_space<hbm>>) target_semaphore(%run_scoped3A : memref<!tpu.dma_semaphore, #tpu.memory_space<semaphore_mem>>)
      %dma_wait3A_113 = arith.constant 0 : i32
      %dma_wait3A_114 = tpu.memref_slice %arg5[%arg0, %mul3A_10, %dma_wait3A_113] : memref<2x10000x128xf32, #tpu.memory_space<hbm>> -> memref<1x624x128xf32, #tpu.memory_space<hbm>>
      %dma_wait3A_115 = tpu.memref_squeeze %dma_wait3A_114 : memref<1x624x128xf32, #tpu.memory_space<hbm>> -> memref<624x128xf32, #tpu.memory_space<hbm>>
      %dma_wait3A_116 = arith.constant 0 : i32
      %dma_wait3A_117 = tpu.memref_slice %arg13[%mul3A_10, %dma_wait3A_116] : memref<10000x128xf32, #tpu.memory_space<vmem_shared>> -> memref<624x128xf32, #tpu.memory_space<vmem_shared>>
      tpu.wait_dma2 semaphore(%run_scoped3A : memref<!tpu.dma_semaphore, #tpu.memory_space<semaphore_mem>>) src(%dma_wait3A_117 : memref<624x128xf32, #tpu.memory_space<vmem_shared>>) dst(%dma_wait3A_115 : memref<624x128xf32, #tpu.memory_space<hbm>>)
      tpu.yield
    }) : () -> ()
    %eq3A_103 = arith.constant 0 : i32
    %eq3A_104 = arith.cmpi eq, %arg1, %eq3A_103 : i32
    %convert_element_type3A_105 = arith.extui %eq3A_104 : i1 to i32
    %cond3A_106 = arith.constant 0 : i32
    %cond3A_107 = arith.cmpi ne, %convert_element_type3A_105, %cond3A_106 : i32
    scf.if %cond3A_107 {
      "tpu.region"() ({
        %run_scoped3A = tpu.sem_alloc : memref<!tpu.dma_semaphore, #tpu.memory_space<semaphore_mem>>
        %dma_start3A_108 = arith.constant 9984 : i32
        %dma_start3A_109 = arith.constant 0 : i32
        %dma_start3A_110 = tpu.memref_slice %arg5[%arg0, %dma_start3A_108, %dma_start3A_109] : memref<2x10000x128xf32, #tpu.memory_space<hbm>> -> memref<1x16x128xf32, #tpu.memory_space<hbm>>
        %dma_start3A_111 = tpu.memref_squeeze %dma_start3A_110 : memref<1x16x128xf32, #tpu.memory_space<hbm>> -> memref<16x128xf32, #tpu.memory_space<hbm>>
        %dma_start3A_112 = arith.constant 9984 : i32
        %dma_start3A_113 = arith.constant 0 : i32
        %dma_start3A_114 = tpu.memref_slice %arg13[%dma_start3A_112, %dma_start3A_113] : memref<10000x128xf32, #tpu.memory_space<vmem_shared>> -> memref<16x128xf32, #tpu.memory_space<vmem_shared>>
        tpu.enqueue_dma source(%dma_start3A_114 : memref<16x128xf32, #tpu.memory_space<vmem_shared>>) target(%dma_start3A_111 : memref<16x128xf32, #tpu.memory_space<hbm>>) target_semaphore(%run_scoped3A : memref<!tpu.dma_semaphore, #tpu.memory_space<semaphore_mem>>)
        %dma_wait3A_115 = arith.constant 9984 : i32
        %dma_wait3A_116 = arith.constant 0 : i32
        %dma_wait3A_117 = tpu.memref_slice %arg5[%arg0, %dma_wait3A_115, %dma_wait3A_116] : memref<2x10000x128xf32, #tpu.memory_space<hbm>> -> memref<1x16x128xf32, #tpu.memory_space<hbm>>
        %dma_wait3A_118 = tpu.memref_squeeze %dma_wait3A_117 : memref<1x16x128xf32, #tpu.memory_space<hbm>> -> memref<16x128xf32, #tpu.memory_space<hbm>>
        %dma_wait3A_119 = arith.constant 9984 : i32
        %dma_wait3A_120 = arith.constant 0 : i32
        %dma_wait3A_121 = tpu.memref_slice %arg13[%dma_wait3A_119, %dma_wait3A_120] : memref<10000x128xf32, #tpu.memory_space<vmem_shared>> -> memref<16x128xf32, #tpu.memory_space<vmem_shared>>
        tpu.wait_dma2 semaphore(%run_scoped3A : memref<!tpu.dma_semaphore, #tpu.memory_space<semaphore_mem>>) src(%dma_wait3A_121 : memref<16x128xf32, #tpu.memory_space<vmem_shared>>) dst(%dma_wait3A_118 : memref<16x128xf32, #tpu.memory_space<hbm>>)
        tpu.yield
      }) : () -> ()
    } else {
    }
    return
  }
}

module attributes {stable_mosaic.version = 14 : i64} {
  func.func @_filter_body(%arg0: i32, %arg1: memref<16000x16xf32, #tpu.memory_space<vmem>>, %arg2: memref<16x128xf32, #tpu.memory_space<vmem>>, %arg3: memref<1x128xf32, #tpu.memory_space<vmem>>, %arg4: memref<128x128xf32, #tpu.memory_space<vmem>>, %arg5: memref<1x128xf32, #tpu.memory_space<vmem>>, %arg6: memref<16000x64xi32, #tpu.memory_space<vmem>>) attributes {dimension_semantics = [#tpu.dimension_semantics<arbitrary>], iteration_bounds = array<i64: 20>, scalar_prefetch = 0 : i64, scratch_operands = 0 : i64, tpu.core_type = #tpu.core_type<tc>, window_params = [{transform_indices = @transform_0, window_bounds = array<i64: 16000, 16>}, {pipeline_mode = #tpu.pipeline_mode<synchronous>, transform_indices = @transform_1, window_bounds = array<i64: 16, 128>}, {pipeline_mode = #tpu.pipeline_mode<synchronous>, transform_indices = @transform_2, window_bounds = array<i64: 1, 128>}, {pipeline_mode = #tpu.pipeline_mode<synchronous>, transform_indices = @transform_3, window_bounds = array<i64: 128, 128>}, {pipeline_mode = #tpu.pipeline_mode<synchronous>, transform_indices = @transform_4, window_bounds = array<i64: 1, 128>}, {transform_indices = @transform_5, window_bounds = array<i64: 16000, 64>}]} {
    %get3A = arith.constant 0 : index
    %get3A_0 = arith.constant 0 : index
    %get3A_1 = vector.load %arg1[%get3A, %get3A_0] : memref<16000x16xf32, #tpu.memory_space<vmem>>, vector<16000x16xf32>
    %get3A_2 = arith.constant 0 : index
    %get3A_3 = arith.constant 0 : index
    %get3A_4 = vector.load %arg2[%get3A_2, %get3A_3] : memref<16x128xf32, #tpu.memory_space<vmem>>, vector<16x128xf32>
    %dot_general3A = arith.constant dense<0.000000e+00> : vector<16000x128xf32>
    %dot_general3A_5 = tpu.matmul %get3A_1, %get3A_4, %dot_general3A {dimension_numbers = #tpu.dot_dimension_numbers<[1], [0], [0], [1], [0, 0, 1, 1], [], []>, transpose_lhs_hint = false} : vector<16000x16xf32>, vector<16x128xf32>, vector<16000x128xf32> -> vector<16000x128xf32>
    %get3A_6 = arith.constant 0 : index
    %get3A_7 = arith.constant 0 : index
    %get3A_8 = vector.load %arg3[%get3A_6, %get3A_7] : memref<1x128xf32, #tpu.memory_space<vmem>>, vector<1x128xf32>
    %add3A = vector.broadcast %get3A_8 : vector<1x128xf32> to vector<16000x128xf32>
    %add3A_9 = arith.addf %dot_general3A_5, %add3A : vector<16000x128xf32>
    %max3A = arith.constant 0.000000e+00 : f32
    %max3A_10 = vector.broadcast %max3A : f32 to vector<16000x128xf32>
    %max3A_11 = arith.maximumf %add3A_9, %max3A_10 : vector<16000x128xf32>
    %abs3A = math.absf %add3A_9 : vector<16000x128xf32>
    %neg3A = arith.constant 0.000000e+00 : f32
    %neg3A_12 = vector.broadcast %neg3A : f32 to vector<16000x128xf32>
    %neg3A_13 = arith.subf %neg3A_12, %abs3A : vector<16000x128xf32>
    %exp3A = math.exp %neg3A_13 : vector<16000x128xf32>
    %log1p3A = math.log1p %exp3A : vector<16000x128xf32>
    %add3A_14 = arith.addf %max3A_11, %log1p3A : vector<16000x128xf32>
    %sub3A = arith.constant 0.693147182 : f32
    %sub3A_15 = vector.broadcast %sub3A : f32 to vector<16000x128xf32>
    %sub3A_16 = arith.subf %add3A_14, %sub3A_15 : vector<16000x128xf32>
    %get3A_17 = arith.constant 0 : index
    %get3A_18 = arith.constant 0 : index
    %get3A_19 = vector.load %arg4[%get3A_17, %get3A_18] : memref<128x128xf32, #tpu.memory_space<vmem>>, vector<128x128xf32>
    %dot_general3A_20 = arith.constant dense<0.000000e+00> : vector<16000x128xf32>
    %dot_general3A_21 = tpu.matmul %sub3A_16, %get3A_19, %dot_general3A_20 {dimension_numbers = #tpu.dot_dimension_numbers<[1], [0], [0], [1], [0, 0, 1, 1], [], []>, transpose_lhs_hint = false} : vector<16000x128xf32>, vector<128x128xf32>, vector<16000x128xf32> -> vector<16000x128xf32>
    %get3A_22 = arith.constant 0 : index
    %get3A_23 = arith.constant 0 : index
    %get3A_24 = vector.load %arg5[%get3A_22, %get3A_23] : memref<1x128xf32, #tpu.memory_space<vmem>>, vector<1x128xf32>
    %add3A_25 = vector.broadcast %get3A_24 : vector<1x128xf32> to vector<16000x128xf32>
    %add3A_26 = arith.addf %dot_general3A_21, %add3A_25 : vector<16000x128xf32>
    %convert_element_type3A = arith.truncf %add3A_26 : vector<16000x128xf32> to vector<16000x128xbf16>
    %slice3A = vector.extract_strided_slice %convert_element_type3A {offsets = [0, 0], sizes = [16000, 64], strides = [1, 1]} : vector<16000x128xbf16> to vector<16000x64xbf16>
    %bitcast_convert_type3A = tpu.bitcast %slice3A : vector<16000x64xbf16> -> vector<16000x64xi16>
    %slice3A_27 = vector.extract_strided_slice %convert_element_type3A {offsets = [0, 64], sizes = [16000, 64], strides = [1, 1]} : vector<16000x128xbf16> to vector<16000x64xbf16>
    %bitcast_convert_type3A_28 = tpu.bitcast %slice3A_27 : vector<16000x64xbf16> -> vector<16000x64xi16>
    %convert_element_type3A_29 = arith.extui %bitcast_convert_type3A : vector<16000x64xi16> to vector<16000x64xi32>
    %convert_element_type3A_30 = arith.extui %bitcast_convert_type3A_28 : vector<16000x64xi16> to vector<16000x64xi32>
    %shift_left3A = arith.constant 16 : i32
    %shift_left3A_31 = vector.broadcast %shift_left3A : i32 to vector<16000x64xi32>
    %shift_left3A_32 = arith.shli %convert_element_type3A_30, %shift_left3A_31 : vector<16000x64xi32>
    %or3A = arith.ori %convert_element_type3A_29, %shift_left3A_32 : vector<16000x64xi32>
    %bitcast_convert_type3A_33 = tpu.bitcast %or3A : vector<16000x64xi32> -> vector<16000x64xi32>
    %swap3A = arith.constant 0 : index
    %swap3A_34 = arith.constant 0 : index
    %swap3A_35 = vector.load %arg6[%swap3A, %swap3A_34] : memref<16000x64xi32, #tpu.memory_space<vmem>>, vector<16000x64xi32>
    tpu.vector_store %arg6[%swap3A, %swap3A_34], %bitcast_convert_type3A_33 {strides = array<i32>} : memref<16000x64xi32, #tpu.memory_space<vmem>>, vector<16000x64xi32>,
    return
  }
  func.func @transform_0(%arg0: i32) -> (i32, i32) {
    %c0_i32 = arith.constant 0 : i32
    %c0_i32_0 = arith.constant 0 : i32
    return %arg0, %c0_i32 : i32, i32
  }
  func.func @transform_1(%arg0: i32) -> (i32, i32) {
    %c0_i32 = arith.constant 0 : i32
    %c0_i32_0 = arith.constant 0 : i32
    %c0_i32_1 = arith.constant 0 : i32
    return %c0_i32, %c0_i32_0 : i32, i32
  }
  func.func @transform_2(%arg0: i32) -> (i32, i32) {
    %c0_i32 = arith.constant 0 : i32
    %c0_i32_0 = arith.constant 0 : i32
    %c0_i32_1 = arith.constant 0 : i32
    return %c0_i32, %c0_i32_0 : i32, i32
  }
  func.func @transform_3(%arg0: i32) -> (i32, i32) {
    %c0_i32 = arith.constant 0 : i32
    %c0_i32_0 = arith.constant 0 : i32
    %c0_i32_1 = arith.constant 0 : i32
    return %c0_i32, %c0_i32_0 : i32, i32
  }
  func.func @transform_4(%arg0: i32) -> (i32, i32) {
    %c0_i32 = arith.constant 0 : i32
    %c0_i32_0 = arith.constant 0 : i32
    %c0_i32_1 = arith.constant 0 : i32
    return %c0_i32, %c0_i32_0 : i32, i32
  }
  func.func @transform_5(%arg0: i32) -> (i32, i32) {
    %c0_i32 = arith.constant 0 : i32
    %c0_i32_0 = arith.constant 0 : i32
    return %arg0, %c0_i32 : i32, i32
  }
}

module attributes {stable_mosaic.version = 14 : i64} {
  func.func @_update_body(%arg0: i32, %arg1: memref<2x5000x128xf32, #tpu.memory_space<vmem>>, %arg2: memref<5000x128xf32, #tpu.memory_space<vmem>>, %arg3: memref<128x128xf32, #tpu.memory_space<vmem>>, %arg4: memref<1x128xf32, #tpu.memory_space<vmem>>, %arg5: memref<128x128xf32, #tpu.memory_space<vmem>>, %arg6: memref<1x128xf32, #tpu.memory_space<vmem>>, %arg7: memref<5000x128xf32, #tpu.memory_space<vmem>>) attributes {dimension_semantics = [#tpu.dimension_semantics<arbitrary>], iteration_bounds = array<i64: 2>, scalar_prefetch = 0 : i64, scratch_operands = 0 : i64, tpu.core_type = #tpu.core_type<tc>, window_params = [{transform_indices = @transform_0, window_bounds = array<i64: 2, 5000, 128>}, {transform_indices = @transform_1, window_bounds = array<i64: 5000, 128>}, {pipeline_mode = #tpu.pipeline_mode<synchronous>, transform_indices = @transform_2, window_bounds = array<i64: 128, 128>}, {pipeline_mode = #tpu.pipeline_mode<synchronous>, transform_indices = @transform_3, window_bounds = array<i64: 1, 128>}, {pipeline_mode = #tpu.pipeline_mode<synchronous>, transform_indices = @transform_4, window_bounds = array<i64: 128, 128>}, {pipeline_mode = #tpu.pipeline_mode<synchronous>, transform_indices = @transform_5, window_bounds = array<i64: 1, 128>}, {transform_indices = @transform_6, window_bounds = array<i64: 5000, 128>}]} {
    %get3A = arith.constant 0 : index
    %get3A_0 = arith.constant 0 : index
    %get3A_1 = arith.constant 0 : index
    %get3A_2 = vector.load %arg1[%get3A, %get3A_0, %get3A_1] : memref<2x5000x128xf32, #tpu.memory_space<vmem>>, vector<1x5000x128xf32>
    %get3A_3 = vector.shape_cast %get3A_2 : vector<1x5000x128xf32> to vector<5000x128xf32>
    %get3A_4 = arith.constant 1 : index
    %get3A_5 = arith.constant 0 : index
    %get3A_6 = arith.constant 0 : index
    %get3A_7 = vector.load %arg1[%get3A_4, %get3A_5, %get3A_6] : memref<2x5000x128xf32, #tpu.memory_space<vmem>>, vector<1x5000x128xf32>
    %get3A_8 = vector.shape_cast %get3A_7 : vector<1x5000x128xf32> to vector<5000x128xf32>
    %add3A = arith.addf %get3A_3, %get3A_8 : vector<5000x128xf32>
    %get3A_9 = arith.constant 0 : index
    %get3A_10 = arith.constant 0 : index
    %get3A_11 = vector.load %arg3[%get3A_9, %get3A_10] : memref<128x128xf32, #tpu.memory_space<vmem>>, vector<128x128xf32>
    %dot_general3A = arith.constant dense<0.000000e+00> : vector<5000x128xf32>
    %dot_general3A_12 = tpu.matmul %add3A, %get3A_11, %dot_general3A {dimension_numbers = #tpu.dot_dimension_numbers<[1], [0], [0], [1], [0, 0, 1, 1], [], []>, transpose_lhs_hint = false} : vector<5000x128xf32>, vector<128x128xf32>, vector<5000x128xf32> -> vector<5000x128xf32>
    %get3A_13 = arith.constant 0 : index
    %get3A_14 = arith.constant 0 : index
    %get3A_15 = vector.load %arg4[%get3A_13, %get3A_14] : memref<1x128xf32, #tpu.memory_space<vmem>>, vector<1x128xf32>
    %add3A_16 = vector.broadcast %get3A_15 : vector<1x128xf32> to vector<5000x128xf32>
    %add3A_17 = arith.addf %dot_general3A_12, %add3A_16 : vector<5000x128xf32>
    %max3A = arith.constant 0.000000e+00 : f32
    %max3A_18 = vector.broadcast %max3A : f32 to vector<5000x128xf32>
    %max3A_19 = arith.maximumf %add3A_17, %max3A_18 : vector<5000x128xf32>
    %abs3A = math.absf %add3A_17 : vector<5000x128xf32>
    %neg3A = arith.constant 0.000000e+00 : f32
    %neg3A_20 = vector.broadcast %neg3A : f32 to vector<5000x128xf32>
    %neg3A_21 = arith.subf %neg3A_20, %abs3A : vector<5000x128xf32>
    %exp3A = math.exp %neg3A_21 : vector<5000x128xf32>
    %log1p3A = math.log1p %exp3A : vector<5000x128xf32>
    %add3A_22 = arith.addf %max3A_19, %log1p3A : vector<5000x128xf32>
    %sub3A = arith.constant 0.693147182 : f32
    %sub3A_23 = vector.broadcast %sub3A : f32 to vector<5000x128xf32>
    %sub3A_24 = arith.subf %add3A_22, %sub3A_23 : vector<5000x128xf32>
    %get3A_25 = arith.constant 0 : index
    %get3A_26 = arith.constant 0 : index
    %get3A_27 = vector.load %arg2[%get3A_25, %get3A_26] : memref<5000x128xf32, #tpu.memory_space<vmem>>, vector<5000x128xf32>
    %get3A_28 = arith.constant 0 : index
    %get3A_29 = arith.constant 0 : index
    %get3A_30 = vector.load %arg5[%get3A_28, %get3A_29] : memref<128x128xf32, #tpu.memory_space<vmem>>, vector<128x128xf32>
    %dot_general3A_31 = arith.constant dense<0.000000e+00> : vector<5000x128xf32>
    %dot_general3A_32 = tpu.matmul %sub3A_24, %get3A_30, %dot_general3A_31 {dimension_numbers = #tpu.dot_dimension_numbers<[1], [0], [0], [1], [0, 0, 1, 1], [], []>, transpose_lhs_hint = false} : vector<5000x128xf32>, vector<128x128xf32>, vector<5000x128xf32> -> vector<5000x128xf32>
    %add3A_33 = arith.addf %get3A_27, %dot_general3A_32 : vector<5000x128xf32>
    %get3A_34 = arith.constant 0 : index
    %get3A_35 = arith.constant 0 : index
    %get3A_36 = vector.load %arg6[%get3A_34, %get3A_35] : memref<1x128xf32, #tpu.memory_space<vmem>>, vector<1x128xf32>
    %add3A_37 = vector.broadcast %get3A_36 : vector<1x128xf32> to vector<5000x128xf32>
    %add3A_38 = arith.addf %add3A_33, %add3A_37 : vector<5000x128xf32>
    %swap3A = arith.constant 0 : index
    %swap3A_39 = arith.constant 0 : index
    %swap3A_40 = vector.load %arg7[%swap3A, %swap3A_39] : memref<5000x128xf32, #tpu.memory_space<vmem>>, vector<5000x128xf32>
    tpu.vector_store %arg7[%swap3A, %swap3A_39], %add3A_38 {strides = array<i32>} : memref<5000x128xf32, #tpu.memory_space<vmem>>, vector<5000x128xf32>,
    return
  }
  func.func @transform_0(%arg0: i32) -> (i32, i32, i32) {
    %c0_i32 = arith.constant 0 : i32
    %c0_i32_0 = arith.constant 0 : i32
    %c0_i32_1 = arith.constant 0 : i32
    return %c0_i32, %arg0, %c0_i32_0 : i32, i32, i32
  }
  func.func @transform_1(%arg0: i32) -> (i32, i32) {
    %c0_i32 = arith.constant 0 : i32
    %c0_i32_0 = arith.constant 0 : i32
    return %arg0, %c0_i32 : i32, i32
  }
  func.func @transform_2(%arg0: i32) -> (i32, i32) {
    %c0_i32 = arith.constant 0 : i32
    %c0_i32_0 = arith.constant 0 : i32
    %c0_i32_1 = arith.constant 0 : i32
    return %c0_i32, %c0_i32_0 : i32, i32
  }
  func.func @transform_3(%arg0: i32) -> (i32, i32) {
    %c0_i32 = arith.constant 0 : i32
    %c0_i32_0 = arith.constant 0 : i32
    %c0_i32_1 = arith.constant 0 : i32
    return %c0_i32, %c0_i32_0 : i32, i32
  }
  func.func @transform_4(%arg0: i32) -> (i32, i32) {
    %c0_i32 = arith.constant 0 : i32
    %c0_i32_0 = arith.constant 0 : i32
    %c0_i32_1 = arith.constant 0 : i32
    return %c0_i32, %c0_i32_0 : i32, i32
  }
  func.func @transform_5(%arg0: i32) -> (i32, i32) {
    %c0_i32 = arith.constant 0 : i32
    %c0_i32_0 = arith.constant 0 : i32
    %c0_i32_1 = arith.constant 0 : i32
    return %c0_i32, %c0_i32_0 : i32, i32
  }
  func.func @transform_6(%arg0: i32) -> (i32, i32) {
    %c0_i32 = arith.constant 0 : i32
    %c0_i32_0 = arith.constant 0 : i32
    return %arg0, %c0_i32 : i32, i32
  }
}

</mosaic_0001>

<sc_bundles>
// kernel: kernel.5.cloned.1.call-start
scs
__scs_entry_jumppad:
0x0: {  	(pc) =	sbr.rel $0x88, $3  }
0x1: {  	(tag) =	ssettag $0x0;
	lr =	simm.s32 $0x1  }
0x2: {  	[smem:$0x3F96] =	sst lr;
	_ =	strace $0xD0000000  }
0x3: {  	_ = 	snop  }
0x4: {  	_ = 	snop  }
0x5: {  	_ = 	snop  }
0x6: {  	_ = 	snop  }
0x7: {  	_ = 	snop  }
__scs_overlays_trampoline_lowered:
0x8: {  	[smem:$0x3FA5] =	sst s0  }
0x9: {  	[smem:$0x3FA6] =	sst s1  }
0xa: {  	[smem:$0x3FA7] =	sst s2  }
0xb: {  	[smem:$0x3FA8] =	sst s3  }
0xc: {  	[smem:$0x3FA9] =	sst s4  }
0xd: {  	[smem:$0x3FAA] =	sst s5  }
0xe: {  	[smem:$0x3FAB] =	sst s6  }
0xf: {  	[smem:$0x3FAC] =	sst s7  }
0x10: {  	[smem:$0x3FAD] =	sst s8  }
0x11: {  	[smem:$0x3FAE] =	sst s9;
	s0 =	simm.s32 @!p0 $0x0  }
0x12: {  	s1 =	sld [smem:$0x3F94];
	s0 =	simm.s32 @p0 $0x1  }
0x13: {  	[smem:$0x3FAF] =	sst s0;
	s0 =	simm.s32 @!p1 $0x0  }
0x14: {  	s2 =	sld [smem:$0x3F93];
	s0 =	simm.s32 @p1 $0x1  }
0x15: {  	[smem:$0x3FB0] =	sst s0;
	s0 =	simm.s32 @!p2 $0x0  }
0x16: {  	s3 =	sld [smem:$0x3FDB];
	s0 =	simm.s32 @p2 $0x1  }
0x17: {  	s4 =	simm.s32 $0x1BF5;
	[smem:$0x3FB2] =	sst s0  }
0x18: {  	s0 =	sld [smem:$0x3F95];
	_ =	swait.ge [sflag:s4], $0x0  }
0x19: {  	s7 =	sld [smem:$0x3F96]  }
0x1a: {  	s8 =	sadd.s32 $0xFFFFE003, lr  }
0x1b: {  	s9 =	sadd.s32 $0xFFFFFEF7, lr;
	s5 =	simm.s32 $0xFFFFFFFF;
	p2 =	slt.u32 s8, $0xFFFFF086  }
0x1c: {  	p1 =	slt.u32 s9, $0xF7A;
	s5 =	simm.s32 @!p2 $0x0  }
0x1d: {  	s5 =	simm.s32 @p1 $0x1;
	p0 =	seq.s32 s7, s2  }
0x1e: {  	s7 =	smul.u32 @!p0 $0xF7A, s2;
	p2 =	seq.s32 @!p0 s5, $0x0  }
0x1f: {  	s9 =	smul.u32 $0xF7A, s1;
	s8 =	simm.s32 @!p0 $0x1BF5;
	p2 =	por !p2, p0  }
0x20: {  	[sflag:s8] =	ssyncset.s32 @!p0 $0xFFFFF086;
	s6 =	sadd.s32 @!p0 s3, s7;
	s7 =	simm.s32 @!p0 $0x108  }
0x21: {  	s3 =	sadd.s32 s3, s9;
	s6 =	sadd.s32 @!p0 $0x88, s6;
	s7 =	simm.s32 @p2 $0x1082  }
0x22: {  	[simem:s7], [sflag:s8] =	dma.local @!p0 [hbm:s6], $0xF7A  }
0x23: {  	s9 =	sor.u32 $0xD0000000, s2;
	s6 =	simm.s32 $0x108;
	_ =	swait.ge @!p0 [sflag:s8], $0x0  }
0x24: {  	s3 =	sadd.s32 $0x88, s3;
	s6 =	simm.s32 @!p1 $0x1082;
	[sflag:s4] =	ssyncset.s32 $0xFFFFF086  }
0x25: {  	[simem:s6], [sflag:s4] =	dma.local [hbm:s3], $0xF7A  }
0x26: {  	[smem:$0x3F96] =	sst s1;
	(tag) =	ssettag s2;
	_ =	strace s9  }
0x27: {  	s1 =	sld [smem:$0x3FA6]  }
0x28: {  	s2 =	sld [smem:$0x3FA7]  }
0x29: {  	s4 =	sld [smem:$0x3FA9]  }
0x2a: {  	p0 =	seq.s32 s5, $0x0;
	s5 =	sld [smem:$0x3FAA]  }
0x2b: {  	s6 =	sld [smem:$0x3FAB]  }
0x2c: {  	s7 =	sld [smem:$0x3FAC]  }
0x2d: {  	s3 =	simm.s32 $0x108;
	s8 =	sld [smem:$0x3FAD]  }
0x2e: {  	s3 =	simm.s32 @!p0 $0x1082;
	s9 =	sld [smem:$0x3FAE]  }
0x2f: {  	lr =	sadd.s32 s0, s3;
	s0 =	sld [smem:$0x3FA5]  }
0x30: {  	s3 =	sld [smem:$0x3FA8]  }
0x31: {  	[smem:$0x3FB1] =	sst s10  }
0x32: {  	s10 =	sld [smem:$0x3FAF];
	_ =	sdelay $0x3  }
0x33: {  	p0 =	seq.s32 s10, $0x1;
	s10 =	sld [smem:$0x3FB1];
	_ =	sdelay $0x3  }
0x34: {  	[smem:$0x3FB1] =	sst s10  }
0x35: {  	s10 =	sld [smem:$0x3FB0];
	_ =	sdelay $0x3  }
0x36: {  	p1 =	seq.s32 s10, $0x1;
	s10 =	sld [smem:$0x3FB1];
	_ =	sdelay $0x3  }
0x37: {  	[smem:$0x3FB1] =	sst s10  }
0x38: {  	s10 =	sld [smem:$0x3FB2]  }
0x39: {  	_ = 	snop;
	(pc) =	sbr.ind lr, $3  }
0x3a: {  	_ = 	snop  }
0x3b: {  	_ = 	snop  }
0x3c: {  	p2 =	seq.s32 s10, $0x1;
	s10 =	sld [smem:$0x3FB1]  }
0x3d: {  	_ =	shalt  }
0x3e: {  	_ =	shalt  }
0x3f: {  	_ =	shalt  }
0x40: {  	_ =	shalt  }
0x41: {  	_ =	shalt  }
0x42: {  	_ =	shalt  }
0x43: {  	_ =	shalt  }
0x44: {  	_ =	shalt  }
0x45: {  	_ =	shalt  }
0x46: {  	_ =	shalt  }
0x47: {  	_ =	shalt  }
0x48: {  	_ =	shalt  }
0x49: {  	_ =	shalt  }
0x4a: {  	_ =	shalt  }
0x4b: {  	_ =	shalt  }
0x4c: {  	_ =	shalt  }
0x4d: {  	_ =	shalt  }
0x4e: {  	_ =	shalt  }
0x4f: {  	_ =	shalt  }
0x50: {  	_ =	shalt  }
0x51: {  	_ =	shalt  }
0x52: {  	_ =	shalt  }
0x53: {  	_ =	shalt  }
0x54: {  	_ =	shalt  }
0x55: {  	_ =	shalt  }
0x56: {  	_ =	shalt  }
0x57: {  	_ =	shalt  }
0x58: {  	_ =	shalt  }
0x59: {  	_ =	shalt  }
0x5a: {  	_ =	shalt  }
0x5b: {  	_ =	shalt  }
0x5c: {  	_ =	shalt  }
0x5d: {  	_ =	shalt  }
0x5e: {  	_ =	shalt  }
0x5f: {  	_ =	shalt  }
0x60: {  	_ =	shalt  }
0x61: {  	_ =	shalt  }
0x62: {  	_ =	shalt  }
0x63: {  	_ =	shalt  }
0x64: {  	_ =	shalt  }
0x65: {  	_ =	shalt  }
0x66: {  	_ =	shalt  }
0x67: {  	_ =	shalt  }
0x68: {  	_ =	shalt  }
0x69: {  	_ =	shalt  }
0x6a: {  	_ =	shalt  }
0x6b: {  	_ =	shalt  }
0x6c: {  	_ =	shalt  }
0x6d: {  	_ =	shalt  }
0x6e: {  	_ =	shalt  }
0x6f: {  	_ =	shalt  }
0x70: {  	_ =	shalt  }
0x71: {  	_ =	shalt  }
0x72: {  	_ =	shalt  }
0x73: {  	_ =	shalt  }
0x74: {  	_ =	shalt  }
0x75: {  	_ =	shalt  }
0x76: {  	_ =	shalt  }
0x77: {  	_ =	shalt  }
0x78: {  	_ =	shalt  }
0x79: {  	_ =	shalt  }
0x7a: {  	_ =	shalt  }
0x7b: {  	_ =	shalt  }
0x7c: {  	_ =	shalt  }
0x7d: {  	_ =	shalt  }
0x7e: {  	_ =	shalt  }
0x7f: {  	_ =	shalt  }
0x80: {  	_ =	shalt  }
0x81: {  	_ =	shalt  }
0x82: {  	_ =	shalt  }
0x83: {  	_ =	shalt  }
0x84: {  	_ =	shalt  }
0x85: {  	_ =	shalt  }
0x86: {  	_ =	shalt  }
0x87: {  	_ =	shalt  }
.Lfunc_end0:
.L_simem_size_0:
called_computation_lowered:
.L_overlay_start_0:
0x88: {  	s2 =	sld [smem:$0x3FD9]  }
0x89: {  	s3 =	sld [smem:$0x3FFE];
	_ =	sdelay $0x1  }
0x8a: {  	s1 =	srdreg.scid  }
0x8b: {  	s0 =	sand.u32 $0x1, s1  }
0x8c: {  	s17 =	sshll.u32 s0, $0xA;
	s2 =	sadd.s32 s3, s2  }
0x8d: {  	s2 =	sadd.s32 s2, s17  }
0x8e: {  	[smem:$0x3FBD] =	sst s2  }
0x8f: {  	_ = 	snop  }
0x90: {  	s2 =	sld [smem:$0x3FC9]  }
0x91: {  	s18 =	sld [smem:$0x3FC8];
	(tm) =	ssettm $0x1  }
0x92: {  	s4 =	sld [smem:$0x3FFB];
	_ =	sdelay $0x3  }
0x93: {  	_ =	strace s4  }
0x94: {  	s4 =	sld [smem:$0x3FFC];
	_ =	sdelay $0x3  }
0x95: {  	_ =	strace s4  }
0x96: {  	s4 =	sld [smem:$0x3FFD];
	_ =	sdelay $0x3  }
0x97: {  	_ =	strace s4  }
0x98: {  	_ =	strace $0x8FFFFFFF  }
0x99: {  	s19 =	sld [smem:$0x3FDB];
	_ =	sdelay $0x1  }
0x9a: {  	s5 =	simm.s32 $_scs_section_size  }
0x9b: {  	s6 =	simm.s32 $_size__tile_overlayer_lowered;
	s7 =	simm.s32 $_tile_overlayer_lowered  }
0x9c: {  	s22 =	simm.s32 $0x1BFF;
	s21 =	sshll.u32 s7, $0x1;
	s4 =	sadd.s32 s5, s19  }
0x9d: {  	s8 =	simm.s32 $0x0;
	s20 =	sshll.u32 s6, $0x1;
	s6 =	sadd.s32 s21, s4  }
0x9e: {  	[timem:s8], [sflag:s22] =	dma.local [hbm:s6], s20  }
0x9f: {  	_ =	swait.ge [sflag:s22], s20  }
0xa0: {  	s5 =	ssub.s32 $0x0, s20;
	[sflag:s22] =	ssyncset.done $0x0  }
0xa1: {  	[sflag:s22] =	ssyncadd.s32 s5;
	_ =	sdelay $0x1  }
0xa2: {  	s23 =	simm.s32 $0x1B8B  }
0xa3: {  	_ =	swait.ge [sflag:s23], $0x1  }
0xa4: {  	[sflag:s23] =	ssyncset.done $0x0  }
0xa5: {  	s25 =	simm.s32 $0x1B8E;
	s24 =	sld [smem:$0x3FFE];
	[sflag:s23] =	ssyncadd.s32 $0xFFFFFFFF  }
0xa6: {  	s26 =	simm.s32 $execute0_lowered;
	[smem:$0x3FD2] =	sst s25  }
0xa7: {  	s6 =	sshll.u32 s26, $0x1;
	_ =	strace $0x80000046;
	[dreg:$0x1] =	wrdreg $0xFFFFFFFF  }
0xa8: {  	s28 =	simm.s32 $_size_execute0_lowered;
	s4 =	sadd.s32 s4, s6;
	[dreg:$0x0] =	wrdreg $0x0  }
0xa9: {  	s6 =	sshll.u32 s28, $0x1;
	[dreg:$0x2] =	wrdreg s4  }
0xaa: {  	[dreg:$0x3] =	wrdreg s6  }
0xab: {  	[dreg:$0x4] =	wrdreg $0xC0  }
0xac: {  	_ =	task [dreg:s8], $0x5FFFF  }
0xad: {  	[dreg:$0x1] =	wrdreg $0xFFFFFFFF  }
0xae: {  	[dreg:$0x0] =	wrdreg $0x60  }
0xaf: {  	[dreg:$0x2] =	wrdreg s24  }
0xb0: {  	[dreg:$0x3] =	wrdreg s2  }
0xb1: {  	[dreg:$0x4] =	wrdreg s18  }
0xb2: {  	[dreg:$0x5] =	wrdreg $0xC2000  }
0xb3: {  	[dreg:$0x6] =	wrdreg $0x9  }
0xb4: {  	_ =	task.clear_ibuf [dreg:s8], $0x7FFFF;
	_ =	strace $0x90000046  }
0xb5: {  	s29 =	simm.s32 $0x9;
	_ =	strace $0x80000048  }
0xb6: {  	_ =	swait.ge [sflag:s29], $0x1  }
0xb7: {  	[sflag:s29] =	ssyncadd.s32 $0xFFFFFFFF  }
0xb8: {  	_ =	strace $0x90000048  }
0xb9: {  	_ =	sfence  }
0xba: {  	s30 =	sld [smem:$0x0];
	_ =	sdelay $0x2  }
0xbb: {  	s31 =	sshll.u32 s1, $0xD;
	s1 =	sshrl.u32 s1, $0x2  }
0xbc: {  	s3 =	sand.u32 $0x4000, s31;
	s1 =	sadd.s32 s1, s30  }
0xbd: {  	s0 =	sor.u32 s3, s0;
	s1 =	sshll.u32 s1, $0x11  }
0xbe: {  	s0 =	sor.u32 s1, s0  }
0xbf: {  	s0 =	sadd.s32 $0x8F2B, s0  }
0xc0: {  	[sflag:s0] =	ssyncadd.remote.s32 $0x1  }
0xc1: {  	_ =	sfence.sel $0xFFFF  }
0xc2: {  	[dreg:$0x0] =	wrdreg $0xFFFFFFFF;
	(pc) =	sbr.abs _section_cstart, $3  }
0xc3: {  	[dreg:$0x1] =	wrdreg $0xFFFFFFFF  }
0xc4: {  	_ =	task.clear_ibuf [dreg:s8], $0x2FFFF;
	_ =	strace $0x9FFFFFFF  }
0xc5: {  	(tm) =	ssettm $0x7FFFFFFF  }
tec
execute0_lowered:
.L_overlay_start_1:
0x0: {  	(tag) =	ssettag $0x1  }
0x1: {  	s0 =	rddreg [dreg:$0x0]  }
0x2: {  	s1 =	rddreg [dreg:$0x1]  }
0x3: {  	s2 =	rddreg [dreg:$0x2]  }
0x4: {  	s3 =	rddreg [dreg:$0x3]  }
0x5: {  	s4 =	simm.s32 $0x0;
	s15 =	stileid.u32;
	s5 =	srdreg.scid  }
0x6: {  	s28 =	simm.s32 $0x6;
	s29 =	simm.s32 $0x80;
	s30 =	simm.s32 $0x8200  }
0x7: {  	s31 =	simm.s32 $0x1;
	[smem:$0x7FF] =	sst s4;
	s7 =	smul.u32 $0x4E000, s15  }
0x8: {  	s6 =	sadd.s32 $0x4E3800, s0;
	s0 =	sadd.s32 $0x1800, s0;
	s5 =	sand.u32 $0x1, s5  }
0x9: {  	s9 =	sshll.u32 s15, $0x1;
	s17 =	sadd.s32 $0x138000, s3;
	s14 =	sadd.s32 $0x10, s2  }
0xa: {  	p0 =	sne.s32 s15, $0x0;
	p1 =	sgt.u32 s15, $0x1;
	_ =	strace $0x80000047  }
0xb: {  	s8 =	ssub.s32 $0x2, s5;
	s9 =	sor.u32 s5, s9;
	s7 =	sshrl.u32 s7, $0x2  }
0xc: {  	s5 =	smul.u32 $0x138800, s5;
	[dreg:$0xa] =	wrdreg s17;
	s16 =	sadd.s32 s7, s3  }
0xd: {  	s10 =	sshrl.u32 s8, $0x1;
	s7 =	sadd.s32 $0x4000, s16;
	[dreg:$0x5] =	wrdreg s16  }
0xe: {  	s10 =	ssub.s32 s8, s10;
	s26 =	sadd.s32 $0x8000, s16;
	[dreg:$0x6] =	wrdreg s7  }
0xf: {  	s8 =	smul.u32 $0x4E, s9;
	s11 =	sadd.s32 $0xC000, s16;
	[dreg:$0x7] =	wrdreg s26  }
0x10: {  	s12 =	sadd.s32 $0x10000, s16;
	[dreg:$0x8] =	wrdreg s11;
	s11 =	smul.u32 $0x9C0, s9  }
0x11: {  	[dreg:$0x9] =	wrdreg s12;
	s12 =	smul.u32 $0x27000, s9;
	s9 =	sshll.u32 s9, $0x7  }
0x12: {  	s26 =	smax.u32 s10, $0x1;
	s10 =	simm.s32 $0x9;
	s9 =	sor.u32 $0x4E000, s9  }
0x13: {  	[dreg:$0x13] =	wrdreg s26;
	s26 =	simm.s32 $0x100;
	s13 =	sadd.s32 s11, s14  }
0x14: {  	s18 =	sadd.s32 s2, s11;
	s19 =	sadd.s32 s6, s12;
	[dreg:$0xb] =	wrdreg s13  }
0x15: {  	s20 =	sshrl.u32 s9, $0x2;
	s9 =	sshll.u32 s9, $0x4;
	[dreg:$0xc] =	wrdreg s18  }
0x16: {  	s13 =	smul.u32 $0x13800, s15;
	[dreg:$0xd] =	wrdreg s19;
	s21 =	sadd.s32 s20, s14  }
0x17: {  	s22 =	sadd.s32 s2, s20;
	s24 =	sadd.s32 s6, s9;
	s18 =	simm.s32 $0x3  }
0x18: {  	s19 =	simm.s32 $0x8;
	s20 =	simm.s32 $0x7;
	[dreg:$0xe] =	wrdreg s21  }
0x19: {  	s9 =	simm.s32 $0x2;
	s15 =	simm.s32 $0x0;
	[dreg:$0xf] =	wrdreg s22  }
.Ltmp0:
0x1a: {  	[dreg:$0x10] =	wrdreg s24;
	s23 =	sadd.s32 s13, s5;
	(pc) =	sbr.rel .LBB2_1-.Ltmp0, $4  }
0x1b: {  	s24 =	simm.s32 $0x200;
	s5 =	sshrl.u32 s5, $0x3;
	s11 =	sshrl.u32 s23, $0x3  }
0x1c: {  	s25 =	sadd.s32 s0, s11;
	s0 =	sadd.s32 s0, s5;
	s5 =	simm.s32 $0x4200  }
0x1d: {  	s11 =	simm.s32 $0x4;
	[dreg:$0x11] =	wrdreg s25;
	s0 =	sadd.s32 $0x27000, s0  }
0x1e: {  	v0 =	vimm.f32 $0.0e+00;
	s25 =	simm.s32 $0xA;
	[dreg:$0x12] =	wrdreg s0;
	s0 =	simm.s32 $0x180  }
.LBB2_14:
0x1f: {  	s7 =	stileid.u32  }
0x20: {  	[bflag:$0x0] =	sbarrier.arrive $0xFFFF;
	s7 =	sshll.u32 s7, $0x6  }
0x21: {  	s12 =	sshrl.u32 s16, $0x3;
	s13 =	rddreg [dreg:$0x11];
	s7 =	sor.u32 $0x1C0A, s7  }
0x22: {  	[hbm:s13], [sflag:s7] =	dma.local [spmem:s12], $0x2700  }
0x23: {  	_ =	swait.ge [sflag:s25], $0x2700  }
0x24: {  	[sflag:s25] =	ssyncset.done $0x0  }
0x25: {  	s12 =	sshrl.u32 @!p0 s17, $0x3;
	s13 =	rddreg [dreg:$0x12];
	[sflag:s25] =	ssyncadd.s32 $0xFFFFD900  }
0x26: {  	[hbm:s13], [sflag:s7] =	dma.local @!p0 [spmem:s12], $0x100  }
0x27: {  	s7 =	simm.s32 @!p0 $0xA  }
0x28: {  	_ =	swait.ge @!p0 [sflag:s7], $0x100  }
0x29: {  	s15 =	sadd.s32 $0x1, s15;
	s23 =	rddreg [dreg:$0x13]  }
0x2a: {  	p2 =	sne.s32 s15, s23  }
.Ltmp1:
0x2b: {  	_ = 	snop;
	(pc) =	sbr.rel @!p2 .LBB2_15-.Ltmp1, $3  }
0x2c: {  	_ =	sdelay $0x1  }
0x2d: {  	[sflag:s7] =	ssyncset.done @!p0 $0x0  }
0x2e: {  	[sflag:s7] =	ssyncadd.s32 @!p0 $0xFFFFFF00  }
.LBB2_1:
0x2f: {  	s12 =	simm.s32 $0x0;
	s13 =	simm.s32 $0x200  }
.LBB2_2:
0x30: {  	p2 =	sne.s32 s13, $0xFE00;
	[tilespmem:s12+$0x270] =	vst v0  }
0x31: {  	[tilespmem:s12+$0x200] =	vst v0  }
0x32: {  	[tilespmem:s12+$0x210] =	vst v0  }
.Ltmp2:
0x33: {  	[tilespmem:s12+$0x220] =	vst v0;
	(pc) =	sbr.rel @p2 .LBB2_2-.Ltmp2, $4  }
0x34: {  	[tilespmem:s12+$0x230] =	vst v0  }
0x35: {  	[tilespmem:s12+$0x240] =	vst v0  }
0x36: {  	[tilespmem:s12+$0x250] =	vst v0  }
0x37: {  	[tilespmem:s12+$0x260] =	vst v0;
	s12 =	sshra.s32 s13, $0x2;
	s13 =	sadd.s32 $0x200, s13  }
0x38: {  	[tilespmem:s12+$0x270] =	vst v0  }
0x39: {  	[tilespmem:s12+$0x200] =	vst v0  }
0x3a: {  	[tilespmem:s12+$0x210] =	vst v0  }
0x3b: {  	[tilespmem:s12+$0x220] =	vst v0  }
0x3c: {  	[tilespmem:s12+$0x230] =	vst v0  }
0x3d: {  	[tilespmem:s12+$0x240] =	vst v0  }
0x3e: {  	[tilespmem:s12+$0x250] =	vst v0  }
0x3f: {  	[tilespmem:s12+$0x260] =	vst v0  }
0x40: {  	[spmem:s16] =	stream.linear.scatter [tilespmem:s24], [sflag:$0xA], $0x4000, $0x38;
	[tilespmem:$0x1FA80] =	vst v63  }
0x41: {  	_ =	swait.ge [sflag:s25], $0x4000  }
0x42: {  	[sflag:s25] =	ssyncset.done $0x0  }
0x43: {  	s7 =	rddreg [dreg:$0x6];
	[sflag:s25] =	ssyncadd.s32 $0xFFFFC000  }
0x44: {  	[spmem:s7] =	stream.linear.scatter [tilespmem:s24], [sflag:$0xA], $0x4000, $0x38;
	[tilespmem:$0x1FA80] =	vst v63  }
0x45: {  	_ =	swait.ge [sflag:s25], $0x4000  }
0x46: {  	[sflag:s25] =	ssyncset.done $0x0  }
0x47: {  	s12 =	rddreg [dreg:$0x7];
	[sflag:s25] =	ssyncadd.s32 $0xFFFFC000  }
0x48: {  	[spmem:s12] =	stream.linear.scatter [tilespmem:s24], [sflag:$0xA], $0x4000, $0x38;
	[tilespmem:$0x1FA80] =	vst v63  }
0x49: {  	_ =	swait.ge [sflag:s25], $0x4000  }
0x4a: {  	[sflag:s25] =	ssyncset.done $0x0  }
0x4b: {  	s13 =	rddreg [dreg:$0x8];
	[sflag:s25] =	ssyncadd.s32 $0xFFFFC000  }
0x4c: {  	[spmem:s13] =	stream.linear.scatter [tilespmem:s24], [sflag:$0xA], $0x4000, $0x38;
	[tilespmem:$0x1FA80] =	vst v63  }
0x4d: {  	_ =	swait.ge [sflag:s25], $0x4000  }
0x4e: {  	[sflag:s25] =	ssyncset.done $0x0  }
0x4f: {  	s16 =	rddreg [dreg:$0x9];
	[sflag:s25] =	ssyncadd.s32 $0xFFFFC000  }
0x50: {  	[spmem:s16] =	stream.linear.scatter [tilespmem:s24], [sflag:$0xA], $0x3800, $0x38;
	[tilespmem:$0x1FA80] =	vst v63  }
0x51: {  	_ =	swait.ge [sflag:s25], $0x3800  }
0x52: {  	[sflag:s25] =	ssyncset.done $0x0  }
0x53: {  	s12 =	simm.s32 @!p0 $0x200;
	[sflag:s25] =	ssyncadd.s32 $0xFFFFC800  }
0x54: {  	[spmem:s17] =	stream.linear.scatter @!p0 [tilespmem:s12], [sflag:$0xA], $0x800, $0x38;
	[tilespmem:$0x1FA80] =	vst v63  }
0x55: {  	s12 =	simm.s32 @!p0 $0xA  }
0x56: {  	_ =	swait.ge @!p0 [sflag:s12], $0x800  }
0x57: {  	[sflag:s12] =	ssyncset.done @!p0 $0x0  }
0x58: {  	[sflag:s12] =	ssyncadd.s32 @!p0 $0xFFFFF800  }
0x59: {  	[bflag:$0x0] =	sbarrier.arrive $0xFFFF  }
0x5a: {  	s16 =	simm.s32 $0x0;
	s21 =	rddreg [dreg:$0xb]  }
0x5b: {  	[tilespmem:s26], [sflag:$0x6] =	stream.linear.gather [hbm4b:s21+s16], $0x80, $0x38;
	[tilespmem:$0x1FA80] =	vst v63  }
0x5c: {  	s22 =	rddreg [dreg:$0xc]  }
0x5d: {  	[tilespmem:s16], [sflag:$0x8] =	stream.linear.gather [hbm4b:s22+s16], $0x80, $0x38;
	[tilespmem:$0x1FA80] =	vst v63  }
0x5e: {  	_ =	swait.ge [sflag:s28], $0x80  }
0x5f: {  	[sflag:s28] =	ssyncset.done $0x0  }
0x60: {  	[sflag:s28] =	ssyncadd.s32 $0xFFFFFF80  }
0x61: {  	[tilespmem:s24], [sflag:$0x1] =	stream.indirect.gather [hbm4b:s1+s29], $0x80, s26, s29, $0xb8;
	[tilespmem:$0x1FA80] =	vst v63  }
0x62: {  	s17 =	simm.s32 $0x0;
	s23 =	rddreg [dreg:$0xd]  }
0x63: {  	[tilespmem:s30], [sflag:$0x3] =	stream.linear.gather [hbm4b:s23+s16], $0x4000, $0x38;
	[tilespmem:$0x1FA80] =	vst v63  }
.LBB2_4:
0x64: {  	s21 =	sshll.u32 s17, $0x1  }
0x65: {  	s12 =	sadd.s32 s21, s8  }
0x66: {  	s23 =	sadd.s32 $0x1, s12  }
0x67: {  	_ =	swait.ge [sflag:s31], $0x4000;
	s12 =	sshll.u32 s23, $0x5  }
0x68: {  	[sflag:s31] =	ssyncset.done $0x0;
	s22 =	sand.u32 $0x1FFFFFE0, s12  }
0x69: {  	[sflag:s31] =	ssyncadd.s32 $0xFFFFC000;
	s12 =	sadd.s32 s22, s14  }
0x6a: {  	[tilespmem:s0], [sflag:$0x7] =	stream.linear.gather [hbm4b:s12+s16], $0x80, $0x38;
	[tilespmem:$0x1FA80] =	vst v63  }
0x6b: {  	_ =	swait.ge [sflag:s18], $0x4000  }
0x6c: {  	[sflag:s18] =	ssyncset.done $0x0  }
0x6d: {  	s12 =	simm.s32 $0x0;
	[sflag:s18] =	ssyncadd.s32 $0xFFFFC000  }
0x6e: {  	v5 =	vld [tilespmem:s12+$0x8200]  }
0x6f: {  	v3 =	vld [tilespmem:s12+$0x8210]  }
0x70: {  	v2 =	vld [tilespmem:s12+$0x8220]  }
0x71: {  	v1 =	vld [tilespmem:s12+$0x8230]  }
0x72: {  	v9 =	vld [tilespmem:s12+$0x200]  }
0x73: {  	v8 =	vld [tilespmem:s12+$0x240]  }
0x74: {  	v7 =	vld [tilespmem:s12+$0x210]  }
0x75: {  	v6 =	vld [tilespmem:s12+$0x250]  }
0x76: {  	v4 =	vld [tilespmem:s12+$0x220];
	v11 =	vshll.u32 v5, $0x10  }
0x77: {  	s13 =	simm.s32 $0x200;
	v10 =	vand.u32 $0xFFFF0000, v5;
	v5 =	vld [tilespmem:s12+$0x260];
	v9 =	vmul.f32 v11, v9  }
.LBB2_5:
0x78: {  	p2 =	sne.s32 s13, $0xFE00;
	v8 =	vmul.f32 v10, v8;
	v10 =	vshll.u32 v3, $0x10;
	v11 =	vld [tilespmem:s12+$0x230]  }
0x79: {  	s7 =	sshra.s32 s13, $0x2;
	v3 =	vand.u32 $0xFFFF0000, v3;
	[tilespmem:s12+$0x200] =	vst v9;
	v7 =	vmul.f32 v10, v7;
	v9 =	vld [tilespmem:s12+$0x270]  }
0x7a: {  	v10 =	vld [tilespmem:s7+$0x8200];
	[tilespmem:s12+$0x240] =	vst v8;
	v6 =	vmul.f32 v3, v6;
	v8 =	vshll.u32 v2, $0x10  }
0x7b: {  	v3 =	vld [tilespmem:s7+$0x8210];
	[tilespmem:s12+$0x210] =	vst v7;
	v7 =	vand.u32 $0xFFFF0000, v2;
	v4 =	vmul.f32 v8, v4  }
0x7c: {  	v2 =	vld [tilespmem:s7+$0x8220];
	[tilespmem:s12+$0x250] =	vst v6;
	v5 =	vmul.f32 v7, v5;
	v6 =	vshll.u32 v1, $0x10  }
0x7d: {  	[tilespmem:s12+$0x220] =	vst v4;
	v4 =	vand.u32 $0xFFFF0000, v1;
	v1 =	vld [tilespmem:s7+$0x8230];
	v6 =	vmul.f32 v6, v11  }
0x7e: {  	v11 =	vld [tilespmem:s7+$0x200];
	[tilespmem:s12+$0x260] =	vst v5;
	v4 =	vmul.f32 v4, v9  }
.Ltmp3:
0x7f: {  	v8 =	vld [tilespmem:s7+$0x240];
	[tilespmem:s12+$0x230] =	vst v6;
	(pc) =	sbr.rel @p2 .LBB2_5-.Ltmp3, $4  }
0x80: {  	v7 =	vld [tilespmem:s7+$0x210];
	[tilespmem:s12+$0x270] =	vst v4;
	s12 =	smov.u32 s7  }
0x81: {  	v6 =	vld [tilespmem:s12+$0x250]  }
0x82: {  	v5 =	vshll.u32 v10, $0x10;
	v4 =	vld [tilespmem:s12+$0x220]  }
0x83: {  	s13 =	sadd.s32 $0x200, s13;
	v10 =	vand.u32 $0xFFFF0000, v10;
	v9 =	vmul.f32 v5, v11;
	v5 =	vld [tilespmem:s12+$0x260]  }
0x84: {  	v11 =	vld [tilespmem:s12+$0x230];
	v8 =	vmul.f32 v10, v8;
	v10 =	vshll.u32 v3, $0x10  }
0x85: {  	v3 =	vand.u32 $0xFFFF0000, v3;
	[tilespmem:s12+$0x200] =	vst v9;
	v7 =	vmul.f32 v10, v7;
	v9 =	vld [tilespmem:s12+$0x270]  }
0x86: {  	[tilespmem:s12+$0x240] =	vst v8;
	v3 =	vmul.f32 v3, v6;
	v6 =	vshll.u32 v2, $0x10  }
0x87: {  	v2 =	vand.u32 $0xFFFF0000, v2;
	[tilespmem:s12+$0x210] =	vst v7;
	v4 =	vmul.f32 v6, v4  }
0x88: {  	[tilespmem:s12+$0x250] =	vst v3;
	v2 =	vmul.f32 v2, v5;
	v3 =	vshll.u32 v1, $0x10  }
0x89: {  	v1 =	vand.u32 $0xFFFF0000, v1;
	[tilespmem:s12+$0x220] =	vst v4;
	v3 =	vmul.f32 v3, v11  }
0x8a: {  	[tilespmem:s12+$0x260] =	vst v2;
	v1 =	vmul.f32 v1, v9  }
0x8b: {  	[tilespmem:s12+$0x230] =	vst v3  }
0x8c: {  	[tilespmem:s12+$0x270] =	vst v1  }
0x8d: {  	_ =	swait.ge [sflag:s19], $0x80  }
0x8e: {  	s7 =	sshll.u32 s23, $0xB;
	[sflag:s19] =	ssyncset.done $0x0  }
0x8f: {  	s7 =	sand.u32 $0x1FFFF800, s7;
	[sflag:s19] =	ssyncadd.s32 $0xFFFFFF80  }
0x90: {  	[spmem:s3] =	stream.indirect.scatter.add.f32 [tilespmem:s24], [sflag:$0x4], $0x80, s4, s29, $0xb8;
	[tilespmem:$0x1FA80] =	vst v63  }
0x91: {  	p2 =	seq.s32 s17, $0x0;
	s7 =	sadd.s32 s6, s7  }
0x92: {  	[tilespmem:s30], [sflag:$0x3] =	stream.linear.gather [hbm4b:s7+s4], $0x4000, $0x38;
	[tilespmem:$0x1FA80] =	vst v63  }
0x93: {  	s7 =	simm.s32 @!p2 $0x5  }
0x94: {  	_ =	swait.ge @!p2 [sflag:s7], $0x4000  }
0x95: {  	[sflag:s7] =	ssyncset.done @!p2 $0x0  }
0x96: {  	s23 =	sadd.s32 s2, s22;
	[sflag:s7] =	ssyncadd.s32 @!p2 $0xFFFFC000  }
0x97: {  	[tilespmem:s29], [sflag:$0x9] =	stream.linear.gather [hbm4b:s23+s4], $0x80, $0x38;
	[tilespmem:$0x1FA80] =	vst v63  }
0x98: {  	_ =	swait.ge [sflag:s20], $0x80  }
0x99: {  	s21 =	sadd.s32 $0x2, s21;
	p2 =	seq.s32 s17, $0x26;
	[sflag:s20] =	ssyncset.done $0x0  }
0x9a: {  	s7 =	sadd.s32 @!p2 s8, s21;
	[sflag:s20] =	ssyncadd.s32 $0xFFFFFF80  }
0x9b: {  	[tilespmem:s5], [sflag:$0x2] =	stream.indirect.gather [hbm4b:s1+s29], $0x80, s0, s29, $0xb8;
	[tilespmem:$0x1FA80] =	vst v63  }
0x9c: {  	s7 =	sshll.u32 @!p2 s7, $0x5;
	_ =	swait.ge [sflag:s9], $0x4000  }
0x9d: {  	s12 =	simm.s32 @!p2 $0x0;
	s7 =	sand.u32 @!p2 $0x1FFFFFC0, s7;
	[sflag:s9] =	ssyncset.done $0x0  }
0x9e: {  	s13 =	simm.s32 @!p2 $0x100;
	s7 =	sadd.s32 @!p2 s7, s14;
	[sflag:s9] =	ssyncadd.s32 $0xFFFFC000  }
0x9f: {  	[tilespmem:s13], [sflag:$0x6] =	stream.linear.gather @!p2 [hbm4b:s7+s12], $0x80, $0x38;
	[tilespmem:$0x1FA80] =	vst v63  }
0xa0: {  	_ =	swait.ge [sflag:s18], $0x4000  }
0xa1: {  	[sflag:s18] =	ssyncset.done $0x0  }
0xa2: {  	s12 =	simm.s32 $0x0;
	[sflag:s18] =	ssyncadd.s32 $0xFFFFC000  }
0xa3: {  	v5 =	vld [tilespmem:s12+$0x8200]  }
0xa4: {  	v3 =	vld [tilespmem:s12+$0x8210]  }
0xa5: {  	v2 =	vld [tilespmem:s12+$0x8220]  }
0xa6: {  	v1 =	vld [tilespmem:s12+$0x8230]  }
0xa7: {  	v9 =	vld [tilespmem:s12+$0x4200]  }
0xa8: {  	v8 =	vld [tilespmem:s12+$0x4240]  }
0xa9: {  	v7 =	vld [tilespmem:s12+$0x4210]  }
0xaa: {  	v6 =	vld [tilespmem:s12+$0x4250]  }
0xab: {  	v4 =	vld [tilespmem:s12+$0x4220];
	v11 =	vshll.u32 v5, $0x10  }
0xac: {  	s13 =	simm.s32 $0x200;
	v10 =	vand.u32 $0xFFFF0000, v5;
	v5 =	vld [tilespmem:s12+$0x4260];
	v9 =	vmul.f32 v11, v9  }
.LBB2_7:
0xad: {  	p3 =	sne.s32 s13, $0xFE00;
	v8 =	vmul.f32 v10, v8;
	v10 =	vshll.u32 v3, $0x10;
	v11 =	vld [tilespmem:s12+$0x4230]  }
0xae: {  	s7 =	sshra.s32 s13, $0x2;
	v3 =	vand.u32 $0xFFFF0000, v3;
	[tilespmem:s12+$0x4200] =	vst v9;
	v7 =	vmul.f32 v10, v7;
	v9 =	vld [tilespmem:s12+$0x4270]  }
0xaf: {  	v10 =	vld [tilespmem:s7+$0x8200];
	[tilespmem:s12+$0x4240] =	vst v8;
	v6 =	vmul.f32 v3, v6;
	v8 =	vshll.u32 v2, $0x10  }
0xb0: {  	v3 =	vld [tilespmem:s7+$0x8210];
	[tilespmem:s12+$0x4210] =	vst v7;
	v7 =	vand.u32 $0xFFFF0000, v2;
	v4 =	vmul.f32 v8, v4  }
0xb1: {  	v2 =	vld [tilespmem:s7+$0x8220];
	[tilespmem:s12+$0x4250] =	vst v6;
	v5 =	vmul.f32 v7, v5;
	v6 =	vshll.u32 v1, $0x10  }
0xb2: {  	[tilespmem:s12+$0x4220] =	vst v4;
	v4 =	vand.u32 $0xFFFF0000, v1;
	v1 =	vld [tilespmem:s7+$0x8230];
	v6 =	vmul.f32 v6, v11  }
0xb3: {  	v11 =	vld [tilespmem:s7+$0x4200];
	[tilespmem:s12+$0x4260] =	vst v5;
	v4 =	vmul.f32 v4, v9  }
.Ltmp4:
0xb4: {  	v8 =	vld [tilespmem:s7+$0x4240];
	[tilespmem:s12+$0x4230] =	vst v6;
	(pc) =	sbr.rel @p3 .LBB2_7-.Ltmp4, $4  }
0xb5: {  	v7 =	vld [tilespmem:s7+$0x4210];
	[tilespmem:s12+$0x4270] =	vst v4;
	s12 =	smov.u32 s7  }
0xb6: {  	v6 =	vld [tilespmem:s12+$0x4250]  }
0xb7: {  	v5 =	vshll.u32 v10, $0x10;
	v4 =	vld [tilespmem:s12+$0x4220]  }
0xb8: {  	s13 =	sadd.s32 $0x200, s13;
	v10 =	vand.u32 $0xFFFF0000, v10;
	v9 =	vmul.f32 v5, v11;
	v5 =	vld [tilespmem:s12+$0x4260]  }
0xb9: {  	v11 =	vld [tilespmem:s12+$0x4230];
	v8 =	vmul.f32 v10, v8;
	v61 =	vshll.u32 v3, $0x10  }
0xba: {  	v3 =	vand.u32 $0xFFFF0000, v3;
	v62 =	vld [tilespmem:s12+$0x4270];
	[tilespmem:s12+$0x4200] =	vst v9;
	v7 =	vmul.f32 v61, v7  }
0xbb: {  	v63 =	vshll.u32 v2, $0x10;
	[tilespmem:s12+$0x4240] =	vst v8;
	v3 =	vmul.f32 v3, v6  }
0xbc: {  	v2 =	vand.u32 $0xFFFF0000, v2;
	[tilespmem:s12+$0x4210] =	vst v7;
	v4 =	vmul.f32 v63, v4  }
0xbd: {  	[tilespmem:s12+$0x4250] =	vst v3;
	v2 =	vmul.f32 v2, v5;
	v3 =	vshll.u32 v1, $0x10  }
0xbe: {  	v1 =	vand.u32 $0xFFFF0000, v1;
	[tilespmem:s12+$0x4220] =	vst v4;
	v3 =	vmul.f32 v3, v11  }
0xbf: {  	v1 =	vmul.f32 v1, v62;
	[tilespmem:s12+$0x4260] =	vst v2  }
0xc0: {  	[tilespmem:s12+$0x4230] =	vst v3  }
.Ltmp5:
0xc1: {  	[tilespmem:s12+$0x4270] =	vst v1;
	(pc) =	sbr.rel @p2 .LBB2_10-.Ltmp5, $4  }
0xc2: {  	_ =	swait.ge [sflag:s10], $0x80  }
0xc3: {  	[sflag:s10] =	ssyncset.done $0x0  }
0xc4: {  	[sflag:s10] =	ssyncadd.s32 $0xFFFFFF80  }
0xc5: {  	[spmem:s3] =	stream.indirect.scatter.add.f32 [tilespmem:s5], [sflag:$0x5], $0x80, s29, s29, $0xb8;
	[tilespmem:$0x1FA80] =	vst v63  }
0xc6: {  	s7 =	sadd.s32 s8, s21  }
0xc7: {  	s12 =	sshll.u32 s7, $0xB  }
0xc8: {  	s12 =	sand.u32 $0x1FFFF000, s12  }
0xc9: {  	s12 =	sadd.s32 s6, s12  }
0xca: {  	[tilespmem:s30], [sflag:$0x3] =	stream.linear.gather [hbm4b:s12+s4], $0x4000, $0x38;
	[tilespmem:$0x1FA80] =	vst v63  }
0xcb: {  	s7 =	sshll.u32 s7, $0x5;
	_ =	swait.ge [sflag:s11], $0x4000  }
0xcc: {  	s7 =	sand.u32 $0x1FFFFFC0, s7;
	[sflag:s11] =	ssyncset.done $0x0  }
0xcd: {  	s7 =	sadd.s32 s2, s7;
	[sflag:s11] =	ssyncadd.s32 $0xFFFFC000  }
0xce: {  	[tilespmem:s4], [sflag:$0x8] =	stream.linear.gather [hbm4b:s7+s4], $0x80, $0x38;
	[tilespmem:$0x1FA80] =	vst v63  }
.Ltmp6:
0xcf: {  	_ = 	snop;
	(pc) =	sbr.rel .LBB2_4-.Ltmp6, $4  }
0xd0: {  	_ =	swait.ge [sflag:s28], $0x80  }
0xd1: {  	[sflag:s28] =	ssyncset.done $0x0  }
0xd2: {  	s17 =	sadd.s32 $0x1, s17;
	[sflag:s28] =	ssyncadd.s32 $0xFFFFFF80  }
0xd3: {  	[tilespmem:s24], [sflag:$0x1] =	stream.indirect.gather [hbm4b:s1+s29], $0x80, s26, s29, $0xb8;
	[tilespmem:$0x1FA80] =	vst v63  }
.LBB2_10:
0xd4: {  	_ =	swait.ge [sflag:s11], $0x4000  }
.Ltmp7:
0xd5: {  	[sflag:s11] =	ssyncset.done $0x0;
	(pc) =	sbr.rel @p1 .LBB2_14-.Ltmp7, $4  }
0xd6: {  	s7 =	simm.s32 $0x5;
	[sflag:s11] =	ssyncadd.s32 $0xFFFFC000  }
0xd7: {  	_ =	swait.ge [sflag:s7], $0x4000  }
0xd8: {  	[sflag:s7] =	ssyncset.done $0x0;
	s16 =	rddreg [dreg:$0x5]  }
0xd9: {  	s17 =	rddreg [dreg:$0xa];
	[sflag:s7] =	ssyncadd.s32 $0xFFFFC000  }
0xda: {  	s7 =	simm.s32 $0x0;
	s12 =	rddreg [dreg:$0xe]  }
0xdb: {  	[tilespmem:s26], [sflag:$0xA] =	stream.linear.gather [hbm4b:s12+s7], $0x80, $0x38;
	[tilespmem:$0x1FA80] =	vst v63  }
0xdc: {  	_ =	swait.ge [sflag:s25], $0x80  }
0xdd: {  	[sflag:s25] =	ssyncset.done $0x0  }
0xde: {  	[sflag:s25] =	ssyncadd.s32 $0xFFFFFF80  }
0xdf: {  	[tilespmem:s24], [sflag:$0x1] =	stream.indirect.gather [hbm4b:s1+s29], $0x80, s26, s29, $0xb8;
	[tilespmem:$0x1FA80] =	vst v63  }
0xe0: {  	_ =	swait.ge [sflag:s31], $0x4000  }
0xe1: {  	[sflag:s31] =	ssyncset.done $0x0  }
0xe2: {  	s22 =	rddreg [dreg:$0xf];
	[sflag:s31] =	ssyncadd.s32 $0xFFFFC000  }
0xe3: {  	[tilespmem:s7], [sflag:$0xA] =	stream.linear.gather [hbm4b:s22+s7], $0x80, $0x38;
	[tilespmem:$0x1FA80] =	vst v63  }
0xe4: {  	_ =	swait.ge [sflag:s25], $0x80  }
0xe5: {  	[sflag:s25] =	ssyncset.done $0x0  }
0xe6: {  	s23 =	rddreg [dreg:$0x10];
	[sflag:s25] =	ssyncadd.s32 $0xFFFFFF80  }
0xe7: {  	[tilespmem:s30], [sflag:$0x3] =	stream.linear.gather [hbm4b:s23+s7], $0x4000, $0x38;
	[tilespmem:$0x1FA80] =	vst v63  }
0xe8: {  	_ =	swait.ge [sflag:s18], $0x4000  }
0xe9: {  	[sflag:s18] =	ssyncset.done $0x0  }
0xea: {  	s12 =	simm.s32 $0x0;
	[sflag:s18] =	ssyncadd.s32 $0xFFFFC000  }
0xeb: {  	v5 =	vld [tilespmem:s12+$0x8200]  }
0xec: {  	v3 =	vld [tilespmem:s12+$0x8210]  }
0xed: {  	v2 =	vld [tilespmem:s12+$0x8220]  }
0xee: {  	v1 =	vld [tilespmem:s12+$0x8230]  }
0xef: {  	v9 =	vld [tilespmem:s12+$0x200]  }
0xf0: {  	v8 =	vld [tilespmem:s12+$0x240]  }
0xf1: {  	v7 =	vld [tilespmem:s12+$0x210]  }
0xf2: {  	v6 =	vld [tilespmem:s12+$0x250]  }
0xf3: {  	v4 =	vld [tilespmem:s12+$0x220];
	v11 =	vshll.u32 v5, $0x10  }
0xf4: {  	s13 =	simm.s32 $0x200;
	v10 =	vand.u32 $0xFFFF0000, v5;
	v5 =	vld [tilespmem:s12+$0x260];
	v9 =	vmul.f32 v11, v9  }
.LBB2_12:
0xf5: {  	p2 =	sne.s32 s13, $0xFE00;
	v8 =	vmul.f32 v10, v8;
	v10 =	vshll.u32 v3, $0x10;
	v11 =	vld [tilespmem:s12+$0x230]  }
0xf6: {  	s7 =	sshra.s32 s13, $0x2;
	v3 =	vand.u32 $0xFFFF0000, v3;
	[tilespmem:s12+$0x200] =	vst v9;
	v7 =	vmul.f32 v10, v7;
	v9 =	vld [tilespmem:s12+$0x270]  }
0xf7: {  	v10 =	vld [tilespmem:s7+$0x8200];
	[tilespmem:s12+$0x240] =	vst v8;
	v6 =	vmul.f32 v3, v6;
	v8 =	vshll.u32 v2, $0x10  }
0xf8: {  	v3 =	vld [tilespmem:s7+$0x8210];
	[tilespmem:s12+$0x210] =	vst v7;
	v7 =	vand.u32 $0xFFFF0000, v2;
	v4 =	vmul.f32 v8, v4  }
0xf9: {  	v2 =	vld [tilespmem:s7+$0x8220];
	[tilespmem:s12+$0x250] =	vst v6;
	v5 =	vmul.f32 v7, v5;
	v6 =	vshll.u32 v1, $0x10  }
0xfa: {  	[tilespmem:s12+$0x220] =	vst v4;
	v4 =	vand.u32 $0xFFFF0000, v1;
	v1 =	vld [tilespmem:s7+$0x8230];
	v6 =	vmul.f32 v6, v11  }
0xfb: {  	v11 =	vld [tilespmem:s7+$0x200];
	[tilespmem:s12+$0x260] =	vst v5;
	v4 =	vmul.f32 v4, v9  }
.Ltmp8:
0xfc: {  	v8 =	vld [tilespmem:s7+$0x240];
	[tilespmem:s12+$0x230] =	vst v6;
	(pc) =	sbr.rel @p2 .LBB2_12-.Ltmp8, $4  }
0xfd: {  	v7 =	vld [tilespmem:s7+$0x210];
	[tilespmem:s12+$0x270] =	vst v4;
	s12 =	smov.u32 s7  }
0xfe: {  	v6 =	vld [tilespmem:s12+$0x250]  }
0xff: {  	v5 =	vshll.u32 v10, $0x10;
	v4 =	vld [tilespmem:s12+$0x220]  }
0x100: {  	s13 =	sadd.s32 $0x200, s13;
	v10 =	vand.u32 $0xFFFF0000, v10;
	v9 =	vmul.f32 v5, v11;
	v5 =	vld [tilespmem:s12+$0x260]  }
0x101: {  	v11 =	vld [tilespmem:s12+$0x230];
	v8 =	vmul.f32 v10, v8;
	v61 =	vshll.u32 v3, $0x10  }
0x102: {  	v3 =	vand.u32 $0xFFFF0000, v3;
	v62 =	vld [tilespmem:s12+$0x270];
	[tilespmem:s12+$0x200] =	vst v9;
	v7 =	vmul.f32 v61, v7  }
0x103: {  	v63 =	vshll.u32 v2, $0x10;
	[tilespmem:s12+$0x240] =	vst v8;
	v3 =	vmul.f32 v3, v6  }
0x104: {  	v2 =	vand.u32 $0xFFFF0000, v2;
	[tilespmem:s12+$0x210] =	vst v7;
	v4 =	vmul.f32 v63, v4  }
0x105: {  	[tilespmem:s12+$0x250] =	vst v3;
	v2 =	vmul.f32 v2, v5;
	v3 =	vshll.u32 v1, $0x10  }
0x106: {  	v1 =	vand.u32 $0xFFFF0000, v1;
	[tilespmem:s12+$0x220] =	vst v4;
	v3 =	vmul.f32 v3, v11  }
0x107: {  	v1 =	vmul.f32 v1, v62;
	[tilespmem:s12+$0x260] =	vst v2  }
0x108: {  	[tilespmem:s12+$0x230] =	vst v3  }
.Ltmp9:
0x109: {  	[tilespmem:s12+$0x270] =	vst v1;
	(pc) =	sbr.rel .LBB2_14-.Ltmp9, $4  }
0x10a: {  	[spmem:s3] =	stream.indirect.scatter.add.f32 [tilespmem:s24], [sflag:$0x4], $0x80, s4, s29, $0xb8;
	[tilespmem:$0x1FA80] =	vst v63  }
0x10b: {  	_ =	swait.ge [sflag:s11], $0x4000  }
0x10c: {  	[sflag:s11] =	ssyncset.done $0x0  }
0x10d: {  	[sflag:s11] =	ssyncadd.s32 $0xFFFFC000  }
.LBB2_15:
0x10e: {  	_ =	sfence.sel $0x180000  }
0x10f: {  	[bflag:$0x0] =	sbarrier.arrive $0xFFFF  }
0x110: {  	_ =	strace $0x90000047  }
0x111: {  	[bflag:$0x2] =	sbarrier.arrive $0xFFFF  }
0x112: {  	s0 =	rddreg [dreg:$0x4]  }
0x113: {  	s0 =	sadd.s32 @!p0 $0x100000, s0  }
0x114: {  	[sflag:s0] =	ssyncadd.tile.s32 @!p0 $0x1;
	_ =	shalt  }
.Lfunc_end2:
_tile_overlayer_lowered:
.L_overlay_start_2:
0x115: {  	(tag) =	ssettag $0x2  }
0x116: {  	s0 =	rddreg [dreg:$0x0];
	s2 =	stileid.u32  }
0x117: {  	s1 =	rddreg [dreg:$0x1];
	p0 =	sne.s32 s2, $0x0  }
0x118: {  	s3 =	rddreg [dreg:$0x2];
	[bflag:$0x3] =	sbarrier.arrive $0xFFFF;
	s2 =	simm.s32 @!p0 $0x1C0A  }
0x119: {  	[timem:s3], [sflag:s2] =	dma.local @!p0 [hbm:s0], s1  }
0x11a: {  	s0 =	simm.s32 @!p0 $0xA  }
0x11b: {  	_ =	swait.ge @!p0 [sflag:s0], s1  }
0x11c: {  	s1 =	ssub.s32 @!p0 $0x0, s1;
	[sflag:s0] =	ssyncset.done @!p0 $0x0  }
0x11d: {  	[sflag:s0] =	ssyncadd.s32 @!p0 s1  }
0x11e: {  	[bflag:$0x3] =	sbarrier.arrive $0xFFFF  }
0x11f: {  	_ =	shalt  }

</sc_bundles>
